<compile_context>
chip_gen: v7x
topology: tpu7x:2x2x1
jax: 0.10.2.dev20260603
libtpu: 0.0.44.dev20260713+nightly
codegen_flags: <defaults>
</compile_context>

<pallas_src>
import functools

import jax
import jax.numpy as jnp
from jax import lax
from jax.experimental import pallas as pl
from jax.experimental.pallas import tpu as pltpu
from jax.experimental.pallas import tpu_sc as plsc

DIM = 768
E = 8
TOPK = 2
HID = 1536
N = 1024
NP = N * TOPK
BLK = 384
NB = 14
NS = NB * BLK
NEG = -1e30

NC = 2
NSUB = 16
NW = NC * NSUB
RPW = NS // NW
TPW = N // NW


def _router_body(xt_ref, wg_ref, bg_ref,
                 dst_ref, wp_ref, bexp_ref, bval_ref):
    xt = xt_ref[...]
    wg = wg_ref[...]
    logits = lax.dot_general(xt, wg, (((1,), (1,)), ((), ())),
                             preferred_element_type=jnp.float32)
    logits = logits + bg_ref[...]

    iota_e = lax.broadcasted_iota(jnp.int32, (N, E), 1)
    l0 = jnp.max(logits, axis=1, keepdims=True)
    e0 = jnp.min(jnp.where(logits == l0, iota_e, E), axis=1, keepdims=True)
    masked = jnp.where(iota_e == e0, NEG, logits)
    l1 = jnp.max(masked, axis=1, keepdims=True)
    e1 = jnp.min(jnp.where(masked == l1, iota_e, E), axis=1, keepdims=True)

    ew = jnp.exp(l1 - l0)
    w0 = 1.0 / (1.0 + ew)
    w1 = 1.0 - w0

    ep = jnp.concatenate([e0, e1], axis=0)
    wp = jnp.concatenate([w0, w1], axis=0)
    iota_pe = lax.broadcasted_iota(jnp.int32, (NP, E), 1)
    onehot = jnp.where(ep == iota_pe, 1.0, 0.0)

    r_i = lax.broadcasted_iota(jnp.int32, (NP, NP), 0)
    c_i = lax.broadcasted_iota(jnp.int32, (NP, NP), 1)
    tril = jnp.where(r_i > c_i, 1.0, 0.0).astype(jnp.bfloat16)
    ranks = lax.dot_general(tril, onehot.astype(jnp.bfloat16),
                            (((1,), (0,)), ((), ())),
                            preferred_element_type=jnp.float32)
    rank_p = jnp.sum(ranks * onehot, axis=1, keepdims=True)

    counts = jnp.sum(onehot, axis=0, keepdims=True)
    counts_i = counts.astype(jnp.int32)
    nb_i = (counts_i + (BLK - 1)) // BLK
    nb_f = nb_i.astype(jnp.float32)
    le = jnp.where(
        lax.broadcasted_iota(jnp.int32, (E, E), 0)
        <= lax.broadcasted_iota(jnp.int32, (E, E), 1), 1.0, 0.0)
    cumb = lax.dot_general(nb_f, le, (((1,), (0,)), ((), ())),
                           preferred_element_type=jnp.float32)
    start = (cumb - nb_f) * BLK
    dst = jnp.sum(onehot * (start + rank_p), axis=1, keepdims=True)
    dst_ref[...] = jnp.transpose(dst, (1, 0)).astype(jnp.int32)
    wp_ref[...] = jnp.transpose(wp, (1, 0))

    cumb_i = cumb.astype(jnp.int32)
    bids = lax.broadcasted_iota(jnp.int32, (NB, E), 0)
    bexp = jnp.sum((bids >= cumb_i).astype(jnp.int32), axis=1, keepdims=True)
    tot = jnp.sum(nb_i, axis=1, keepdims=True)
    bcol = lax.broadcasted_iota(jnp.int32, (NB, 1), 0)
    bval = (bcol < tot).astype(jnp.int32)
    iota_e1 = lax.broadcasted_iota(jnp.int32, (1, E), 1)
    ilast = jnp.max(jnp.where(nb_i > 0, iota_e1, 0), axis=1, keepdims=True)
    bexp_ref[...] = jnp.where(bval == 1, bexp, ilast)
    bval_ref[...] = bval


def _router(xt, Wg, bg2):
    return pl.pallas_call(
        _router_body,
        out_shape=[
            jax.ShapeDtypeStruct((1, NP), jnp.int32),
            jax.ShapeDtypeStruct((1, NP), jnp.float32),
            jax.ShapeDtypeStruct((NB, 1), jnp.int32),
            jax.ShapeDtypeStruct((NB, 1), jnp.int32),
        ],
    )(xt, Wg, bg2)


def _mlp_body(bexp_s, bval_s, rows_ref, W1_ref, b1_ref, W2_ref,
              b2_ref, W3_ref, b3_ref, out_ref):
    i = pl.program_id(0)

    @pl.when(bval_s[i] == 1)
    def _():
        r = rows_ref[...]
        h1 = lax.dot_general(r, W1_ref[0], (((1,), (1,)), ((), ())),
                             preferred_element_type=jnp.float32) + b1_ref[0]
        h3 = lax.dot_general(r, W3_ref[0], (((1,), (1,)), ((), ())),
                             preferred_element_type=jnp.float32) + b3_ref[0]
        sig = 1.0 / (1.0 + jnp.exp(-h1))
        hm = (h1 * sig) * h3
        out = lax.dot_general(hm, W2_ref[0], (((1,), (1,)), ((), ())),
                              preferred_element_type=jnp.float32) + b2_ref[0]
        out_ref[...] = out


def _mlp(bexp, bval, rows, W1, b1r, W2, b2r, W3, b3r):
    grid_spec = pltpu.PrefetchScalarGridSpec(
        num_scalar_prefetch=2,
        grid=(NB,),
        in_specs=[
            pl.BlockSpec((BLK, DIM),
                         lambda i, be, bv: (jnp.where(bv[i] == 1, i, 0), 0)),
            pl.BlockSpec((1, HID, DIM), lambda i, be, bv: (be[i], 0, 0)),
            pl.BlockSpec((1, 1, HID), lambda i, be, bv: (be[i], 0, 0)),
            pl.BlockSpec((1, DIM, HID), lambda i, be, bv: (be[i], 0, 0)),
            pl.BlockSpec((1, 1, DIM), lambda i, be, bv: (be[i], 0, 0)),
            pl.BlockSpec((1, HID, DIM), lambda i, be, bv: (be[i], 0, 0)),
            pl.BlockSpec((1, 1, HID), lambda i, be, bv: (be[i], 0, 0)),
        ],
        out_specs=pl.BlockSpec(
            (BLK, DIM), lambda i, be, bv: (jnp.where(bv[i] == 1, i, NB), 0)),
    )
    return pl.pallas_call(
        _mlp_body,
        grid_spec=grid_spec,
        out_shape=jax.ShapeDtypeStruct((NS + BLK, DIM), jnp.float32),
        compiler_params=pltpu.CompilerParams(
            dimension_semantics=("arbitrary",)),
    )(bexp, bval, rows, W1, b1r, W2, b2r, W3, b3r)


PPW = NP // NW


def _dispatch_body(xt_hbm, dst_hbm, rows_hbm, dst_v, rows_v, sem):
    wid = lax.axis_index("c") * NSUB + lax.axis_index("s")
    pbase = pl.multiple_of(wid * PPW, PPW)
    tbase = pl.multiple_of(pbase & (N - 1), PPW)
    pltpu.sync_copy(dst_hbm.at[pl.ds(pbase, PPW)], dst_v)
    pltpu.sync_copy(xt_hbm.at[pl.ds(tbase, PPW)], rows_v)
    pltpu.async_copy(rows_v, rows_hbm.at[dst_v], sem).wait()


def _combine_body(outs_hbm, dst_hbm, wp_hbm, y_hbm,
                  i0_v, i1_v, w0_v, w1_v, r0_v, r1_v, s0, s1):
    wid = lax.axis_index("c") * NSUB + lax.axis_index("s")
    base = wid * TPW
    pltpu.sync_copy(dst_hbm.at[pl.ds(base, TPW)], i0_v)
    pltpu.sync_copy(dst_hbm.at[pl.ds(N + base, TPW)], i1_v)
    pltpu.sync_copy(wp_hbm.at[pl.ds(base, TPW)], w0_v)
    pltpu.sync_copy(wp_hbm.at[pl.ds(N + base, TPW)], w1_v)
    c0 = pltpu.async_copy(outs_hbm.at[i0_v], r0_v, s0)
    c1 = pltpu.async_copy(outs_hbm.at[i1_v], r1_v, s1)
    c0.wait()
    c1.wait()

    def row(rr, carry):
        ridx = jnp.full((16,), rr, jnp.int32)
        w0s = plsc.load_gather(w0_v, [ridx])
        w1s = plsc.load_gather(w1_v, [ridx])

        for cc in range(DIM // 16):
            sl = pl.ds(cc * 16, 16)
            r0_v[rr, sl] = r0_v[rr, sl] * w0s + r1_v[rr, sl] * w1s
        return carry

    lax.fori_loop(0, TPW, row, 0)
    pltpu.sync_copy(r0_v, y_hbm.at[pl.ds(base, TPW)])


@functools.cache
def _sc_kernels():
    mesh = plsc.VectorSubcoreMesh(core_axis_name="c", subcore_axis_name="s")
    dispatch = functools.partial(
        pl.kernel,
        mesh=mesh,
        compiler_params=pltpu.CompilerParams(needs_layout_passes=False),
        out_type=jax.ShapeDtypeStruct((NS, DIM), jnp.float32),
        scratch_types=[
            pltpu.VMEM((PPW,), jnp.int32),
            pltpu.VMEM((PPW, DIM), jnp.float32),
            pltpu.SemaphoreType.DMA,
        ],
    )(_dispatch_body)
    combine = functools.partial(
        pl.kernel,
        mesh=mesh,
        compiler_params=pltpu.CompilerParams(needs_layout_passes=False),
        out_type=jax.ShapeDtypeStruct((N, DIM), jnp.float32),
        scratch_types=[
            pltpu.VMEM((TPW,), jnp.int32),
            pltpu.VMEM((TPW,), jnp.int32),
            pltpu.VMEM((TPW,), jnp.float32),
            pltpu.VMEM((TPW,), jnp.float32),
            pltpu.VMEM((TPW, DIM), jnp.float32),
            pltpu.VMEM((TPW, DIM), jnp.float32),
            pltpu.SemaphoreType.DMA,
            pltpu.SemaphoreType.DMA,
        ],
    )(_combine_body)
    return dispatch, combine


def kernel(x, Wg, bg, W1, b1, W2, b2, W3, b3):
    _dispatch, _combine = _sc_kernels()
    b_, c_, h_, w_ = x.shape
    xt = jnp.transpose(x, (0, 2, 3, 1)).reshape(N, DIM)
    dst2, wp2, bexp2, bval2 = _router(xt, Wg, bg.reshape(1, E))
    dst = dst2.reshape(NP)
    wp = wp2.reshape(NP)
    rows = _dispatch(xt, dst)
    outs = _mlp(bexp2.reshape(NB), bval2.reshape(NB), rows,
                W1, b1.reshape(E, 1, HID), W2,
                b2.reshape(E, 1, DIM), W3, b3.reshape(E, 1, HID))
    y = _combine(outs, dst, wp)
    return jnp.transpose(y.reshape(b_, h_, w_, DIM), (0, 3, 1, 2))

# --- scband reference (transcript-rebuilt; emitter-appended) ---
"""Pipeline reference for scband-sparse-mo-e-4913442586647 (READ-ONLY COPY).

The authoritative reference and input builder live on the scoring server;
editing this copy changes nothing except your own understanding.
"""

import jax, jax.numpy as jnp
import numpy as np

DIM = 768
E = 8
TOP_K = 2
MLP_RATIO = 4.0
HID = int(MLP_RATIO / TOP_K * DIM)  # 1536
FILTER_RADIO = 0.0
B, H, W = 4, 16, 16


def _silu(v):
    return v * jax.nn.sigmoid(v)


def setup_inputs(seed: int = 0) -> dict:
    key = jax.random.key(seed)
    ks = jax.random.split(key, 8)
    x = jax.random.normal(ks[0], (B, DIM, H, W), dtype=jnp.float32)
    s = 1.0 / np.sqrt(DIM)
    sh = 1.0 / np.sqrt(HID)
    Wg = jax.random.normal(ks[1], (E, DIM), dtype=jnp.float32) * s
    bg = jnp.zeros((E,), dtype=jnp.float32)
    W1 = jax.random.normal(ks[2], (E, HID, DIM), dtype=jnp.float32) * s
    b1 = jnp.zeros((E, HID), dtype=jnp.float32)
    W2 = jax.random.normal(ks[3], (E, DIM, HID), dtype=jnp.float32) * sh
    b2 = jnp.zeros((E, DIM), dtype=jnp.float32)
    W3 = jax.random.normal(ks[4], (E, HID, DIM), dtype=jnp.float32) * s
    b3 = jnp.zeros((E, HID), dtype=jnp.float32)
    return {"x": x, "Wg": Wg, "bg": bg, "W1": W1, "b1": b1, "W2": W2, "b2": b2, "W3": W3, "b3": b3}


def reference(x, Wg, bg, W1, b1, W2, b2, W3, b3):
    b_, c_, h_, w_ = x.shape
    xt = jnp.transpose(x, (0, 2, 3, 1)).reshape(-1, c_)
    # TopkRouter: bias buffer bi starts at zeros -> biased_logits == logits
    logits = xt @ Wg.T + bg
    _, indices = jax.lax.top_k(logits, TOP_K)
    top_k_logits = jnp.take_along_axis(logits, indices, axis=1)
    mkey = jax.random.fold_in(jax.random.key(0), 123)
    mask = (jax.random.uniform(mkey, top_k_logits.shape) > FILTER_RADIO).astype(jnp.float32)
    weights = jax.nn.softmax(top_k_logits, axis=1) * mask
    n_experts = Wg.shape[0]
    y = jnp.zeros_like(xt)
    for i in range(n_experts):
        hmid = _silu(xt @ W1[i].T + b1[i]) * (xt @ W3[i].T + b3[i])
        out = hmid @ W2[i].T + b2[i]
        wsel = jnp.sum(jnp.where(indices == i, weights, 0.0), axis=1)[:, None]
        y = y + out * wsel
    y = y.reshape(b_, h_, w_, c_)
    return jnp.transpose(y, (0, 3, 1, 2))

if __name__ == "__main__":
    import jax
    _d = setup_inputs()
    print(jax.jit(kernel)(*tuple(_d.values())))

</pallas_src>

<mosaic_0001>
#map = affine_map<(d0, d1) -> (0, 0)>
#map1 = affine_map<(d0, d1) -> (0)>
module attributes {stable_mosaic.version = 14 : i64} {
  func.func @_combine_body(%arg0: i32, %arg1: i32, %arg2: memref<5760x768xf32, #tpu.memory_space<hbm>>, %arg3: memref<2048xi32, #tpu.memory_space<hbm>>, %arg4: memref<2048xf32, #tpu.memory_space<hbm>>, %arg5: memref<1024x768xf32, #tpu.memory_space<hbm>>, %arg6: memref<32xi32, #tpu.memory_space<vmem>>, %arg7: memref<32xi32, #tpu.memory_space<vmem>>, %arg8: memref<32xf32, #tpu.memory_space<vmem>>, %arg9: memref<32xf32, #tpu.memory_space<vmem>>, %arg10: memref<32x768xf32, #tpu.memory_space<vmem>>, %arg11: memref<32x768xf32, #tpu.memory_space<vmem>>, %arg12: memref<!tpu.dma_semaphore, #tpu.memory_space<semaphore_mem>>, %arg13: memref<!tpu.dma_semaphore, #tpu.memory_space<semaphore_mem>>) attributes {dimension_semantics = [#tpu.dimension_semantics<core_parallel>, #tpu.dimension_semantics<subcore_parallel>], iteration_bounds = array<i64: 2, 16>, scalar_prefetch = 0 : i64, scratch_operands = 8 : i64, tpu.core_type = #tpu.core_type<sc_vector_subcore>, window_params = [{transform_indices = #map}, {transform_indices = #map1}, {transform_indices = #map1}, {transform_indices = #map}]} {
    %mul3A = arith.constant 16 : i32
    %mul3A_0 = arith.muli %arg0, %mul3A : i32
    %add3A = arith.addi %mul3A_0, %arg1 : i32
    %mul3A_1 = arith.constant 32 : i32
    %mul3A_2 = arith.muli %add3A, %mul3A_1 : i32
    "tpu.region"() ({
      %run_scoped3A = tpu.sem_alloc : memref<!tpu.dma_semaphore, #tpu.memory_space<semaphore_mem>>
      %dma_start3A_22 = tpu.memref_slice %arg3[%mul3A_2] : memref<2048xi32, #tpu.memory_space<hbm>> -> memref<32xi32, #tpu.memory_space<hbm>>
      %dma_start3A_23 = tpu.memref_slice %arg3[%mul3A_2] : memref<2048xi32, #tpu.memory_space<hbm>> -> memref<32xi32, #tpu.memory_space<hbm>>
      tpu.enqueue_dma source(%dma_start3A_23 : memref<32xi32, #tpu.memory_space<hbm>>) target(%arg6 : memref<32xi32, #tpu.memory_space<vmem>>) target_semaphore(%run_scoped3A : memref<!tpu.dma_semaphore, #tpu.memory_space<semaphore_mem>>)
      %dma_wait3A_24 = tpu.memref_slice %arg3[%mul3A_2] : memref<2048xi32, #tpu.memory_space<hbm>> -> memref<32xi32, #tpu.memory_space<hbm>>
      %dma_wait3A_25 = tpu.memref_slice %arg3[%mul3A_2] : memref<2048xi32, #tpu.memory_space<hbm>> -> memref<32xi32, #tpu.memory_space<hbm>>
      tpu.wait_dma2 semaphore(%run_scoped3A : memref<!tpu.dma_semaphore, #tpu.memory_space<semaphore_mem>>) src(%dma_wait3A_25 : memref<32xi32, #tpu.memory_space<hbm>>) dst(%arg6 : memref<32xi32, #tpu.memory_space<vmem>>)
      tpu.yield
    }) : () -> ()
    %add3A_3 = arith.constant 1024 : i32
    %add3A_4 = arith.addi %add3A_3, %mul3A_2 : i32
    "tpu.region"() ({
      %run_scoped3A = tpu.sem_alloc : memref<!tpu.dma_semaphore, #tpu.memory_space<semaphore_mem>>
      %dma_start3A_22 = tpu.memref_slice %arg3[%add3A_4] : memref<2048xi32, #tpu.memory_space<hbm>> -> memref<32xi32, #tpu.memory_space<hbm>>
      %dma_start3A_23 = tpu.memref_slice %arg3[%add3A_4] : memref<2048xi32, #tpu.memory_space<hbm>> -> memref<32xi32, #tpu.memory_space<hbm>>
      tpu.enqueue_dma source(%dma_start3A_23 : memref<32xi32, #tpu.memory_space<hbm>>) target(%arg7 : memref<32xi32, #tpu.memory_space<vmem>>) target_semaphore(%run_scoped3A : memref<!tpu.dma_semaphore, #tpu.memory_space<semaphore_mem>>)
      %dma_wait3A_24 = tpu.memref_slice %arg3[%add3A_4] : memref<2048xi32, #tpu.memory_space<hbm>> -> memref<32xi32, #tpu.memory_space<hbm>>
      %dma_wait3A_25 = tpu.memref_slice %arg3[%add3A_4] : memref<2048xi32, #tpu.memory_space<hbm>> -> memref<32xi32, #tpu.memory_space<hbm>>
      tpu.wait_dma2 semaphore(%run_scoped3A : memref<!tpu.dma_semaphore, #tpu.memory_space<semaphore_mem>>) src(%dma_wait3A_25 : memref<32xi32, #tpu.memory_space<hbm>>) dst(%arg7 : memref<32xi32, #tpu.memory_space<vmem>>)
      tpu.yield
    }) : () -> ()
    "tpu.region"() ({
      %run_scoped3A = tpu.sem_alloc : memref<!tpu.dma_semaphore, #tpu.memory_space<semaphore_mem>>
      %dma_start3A_22 = tpu.memref_slice %arg4[%mul3A_2] : memref<2048xf32, #tpu.memory_space<hbm>> -> memref<32xf32, #tpu.memory_space<hbm>>
      %dma_start3A_23 = tpu.memref_slice %arg4[%mul3A_2] : memref<2048xf32, #tpu.memory_space<hbm>> -> memref<32xf32, #tpu.memory_space<hbm>>
      tpu.enqueue_dma source(%dma_start3A_23 : memref<32xf32, #tpu.memory_space<hbm>>) target(%arg8 : memref<32xf32, #tpu.memory_space<vmem>>) target_semaphore(%run_scoped3A : memref<!tpu.dma_semaphore, #tpu.memory_space<semaphore_mem>>)
      %dma_wait3A_24 = tpu.memref_slice %arg4[%mul3A_2] : memref<2048xf32, #tpu.memory_space<hbm>> -> memref<32xf32, #tpu.memory_space<hbm>>
      %dma_wait3A_25 = tpu.memref_slice %arg4[%mul3A_2] : memref<2048xf32, #tpu.memory_space<hbm>> -> memref<32xf32, #tpu.memory_space<hbm>>
      tpu.wait_dma2 semaphore(%run_scoped3A : memref<!tpu.dma_semaphore, #tpu.memory_space<semaphore_mem>>) src(%dma_wait3A_25 : memref<32xf32, #tpu.memory_space<hbm>>) dst(%arg8 : memref<32xf32, #tpu.memory_space<vmem>>)
      tpu.yield
    }) : () -> ()
    %add3A_5 = arith.constant 1024 : i32
    %add3A_6 = arith.addi %add3A_5, %mul3A_2 : i32
    "tpu.region"() ({
      %run_scoped3A = tpu.sem_alloc : memref<!tpu.dma_semaphore, #tpu.memory_space<semaphore_mem>>
      %dma_start3A_22 = tpu.memref_slice %arg4[%add3A_6] : memref<2048xf32, #tpu.memory_space<hbm>> -> memref<32xf32, #tpu.memory_space<hbm>>
      %dma_start3A_23 = tpu.memref_slice %arg4[%add3A_6] : memref<2048xf32, #tpu.memory_space<hbm>> -> memref<32xf32, #tpu.memory_space<hbm>>
      tpu.enqueue_dma source(%dma_start3A_23 : memref<32xf32, #tpu.memory_space<hbm>>) target(%arg9 : memref<32xf32, #tpu.memory_space<vmem>>) target_semaphore(%run_scoped3A : memref<!tpu.dma_semaphore, #tpu.memory_space<semaphore_mem>>)
      %dma_wait3A_24 = tpu.memref_slice %arg4[%add3A_6] : memref<2048xf32, #tpu.memory_space<hbm>> -> memref<32xf32, #tpu.memory_space<hbm>>
      %dma_wait3A_25 = tpu.memref_slice %arg4[%add3A_6] : memref<2048xf32, #tpu.memory_space<hbm>> -> memref<32xf32, #tpu.memory_space<hbm>>
      tpu.wait_dma2 semaphore(%run_scoped3A : memref<!tpu.dma_semaphore, #tpu.memory_space<semaphore_mem>>) src(%dma_wait3A_25 : memref<32xf32, #tpu.memory_space<hbm>>) dst(%arg9 : memref<32xf32, #tpu.memory_space<vmem>>)
      tpu.yield
    }) : () -> ()
    %dma_start3A = arith.constant 0 : i32
    %dma_start3A_7 = arith.constant 0 : i32
    %dma_start3A_8 = tpu.memref_slice %arg2[%dma_start3A, %dma_start3A_7] : memref<5760x768xf32, #tpu.memory_space<hbm>> -> memref<5760x768xf32, #tpu.memory_space<hbm>>
    tpu.enqueue_indirect_dma source(%dma_start3A_8 : memref<5760x768xf32, #tpu.memory_space<hbm>>) target(%arg10 : memref<32x768xf32, #tpu.memory_space<vmem>>) offsets(%arg6 : memref<32xi32, #tpu.memory_space<vmem>>) semaphore(%arg12 : memref<!tpu.dma_semaphore, #tpu.memory_space<semaphore_mem>>)
    %dma_start3A_9 = arith.constant 0 : i32
    %dma_start3A_10 = arith.constant 0 : i32
    %dma_start3A_11 = tpu.memref_slice %arg2[%dma_start3A_9, %dma_start3A_10] : memref<5760x768xf32, #tpu.memory_space<hbm>> -> memref<5760x768xf32, #tpu.memory_space<hbm>>
    tpu.enqueue_indirect_dma source(%dma_start3A_11 : memref<5760x768xf32, #tpu.memory_space<hbm>>) target(%arg11 : memref<32x768xf32, #tpu.memory_space<vmem>>) offsets(%arg7 : memref<32xi32, #tpu.memory_space<vmem>>) semaphore(%arg13 : memref<!tpu.dma_semaphore, #tpu.memory_space<semaphore_mem>>)
    %dma_wait3A = arith.constant 0 : i32
    %dma_wait3A_12 = arith.constant 0 : i32
    %dma_wait3A_13 = tpu.memref_slice %arg2[%dma_wait3A, %dma_wait3A_12] : memref<5760x768xf32, #tpu.memory_space<hbm>> -> memref<5760x768xf32, #tpu.memory_space<hbm>>
    tpu.wait_indirect_dma semaphore(%arg12 : memref<!tpu.dma_semaphore, #tpu.memory_space<semaphore_mem>>) src(%dma_wait3A_13 : memref<5760x768xf32, #tpu.memory_space<hbm>>) dst(%arg10 : memref<32x768xf32, #tpu.memory_space<vmem>>)
    %dma_wait3A_14 = arith.constant 0 : i32
    %dma_wait3A_15 = arith.constant 0 : i32
    %dma_wait3A_16 = tpu.memref_slice %arg2[%dma_wait3A_14, %dma_wait3A_15] : memref<5760x768xf32, #tpu.memory_space<hbm>> -> memref<5760x768xf32, #tpu.memory_space<hbm>>
    tpu.wait_indirect_dma semaphore(%arg13 : memref<!tpu.dma_semaphore, #tpu.memory_space<semaphore_mem>>) src(%dma_wait3A_16 : memref<5760x768xf32, #tpu.memory_space<hbm>>) dst(%arg11 : memref<32x768xf32, #tpu.memory_space<vmem>>)
    %scan3A = arith.constant 0 : i32
    %scan3A_17 = arith.constant 0 : i32
    %scan3A_18 = arith.constant 32 : i32
    %scan3A_19 = arith.addi %scan3A_17, %scan3A_18 : i32
    %scan3A_20 = arith.constant 1 : i32
    scf.for %scan3A_22 = %scan3A_17 to %scan3A_19 step %scan3A_20  : i32 {
      %broadcast_in_dim3A = vector.broadcast %scan3A_22 : i32 to vector<16xi32>
      %gather3A = tpu.vector_load_idx %arg8[%broadcast_in_dim3A] : memref<32xf32, #tpu.memory_space<vmem>>[vector<16xi32>], vector<16xf32>,
      %gather3A_23 = tpu.vector_load_idx %arg9[%broadcast_in_dim3A] : memref<32xf32, #tpu.memory_space<vmem>>[vector<16xi32>], vector<16xf32>,
      %get3A = arith.index_cast %scan3A_22 : i32 to index
      %get3A_24 = arith.constant 0 : index
      %get3A_25 = tpu.vector_load %arg10[%get3A, %get3A_24] {strides = array<i32>} : memref<32x768xf32, #tpu.memory_space<vmem>>, vector<16xf32>,
      %mul3A_26 = arith.mulf %get3A_25, %gather3A : vector<16xf32>
      %get3A_27 = arith.index_cast %scan3A_22 : i32 to index
      %get3A_28 = arith.constant 0 : index
      %get3A_29 = tpu.vector_load %arg11[%get3A_27, %get3A_28] {strides = array<i32>} : memref<32x768xf32, #tpu.memory_space<vmem>>, vector<16xf32>,
      %mul3A_30 = arith.mulf %get3A_29, %gather3A_23 : vector<16xf32>
      %add3A_31 = arith.addf %mul3A_26, %mul3A_30 : vector<16xf32>
      %swap3A = arith.index_cast %scan3A_22 : i32 to index
      %swap3A_32 = arith.constant 0 : index
      %swap3A_33 = tpu.vector_load %arg10[%swap3A, %swap3A_32] {strides = array<i32>} : memref<32x768xf32, #tpu.memory_space<vmem>>, vector<16xf32>,
      tpu.vector_store %arg10[%swap3A, %swap3A_32], %add3A_31 {strides = array<i32>} : memref<32x768xf32, #tpu.memory_space<vmem>>, vector<16xf32>,
      %get3A_34 = arith.index_cast %scan3A_22 : i32 to index
      %get3A_35 = arith.constant 16 : index
      %get3A_36 = tpu.vector_load %arg10[%get3A_34, %get3A_35] {strides = array<i32>} : memref<32x768xf32, #tpu.memory_space<vmem>>, vector<16xf32>,
      %mul3A_37 = arith.mulf %get3A_36, %gather3A : vector<16xf32>
      %get3A_38 = arith.index_cast %scan3A_22 : i32 to index
      %get3A_39 = arith.constant 16 : index
      %get3A_40 = tpu.vector_load %arg11[%get3A_38, %get3A_39] {strides = array<i32>} : memref<32x768xf32, #tpu.memory_space<vmem>>, vector<16xf32>,
      %mul3A_41 = arith.mulf %get3A_40, %gather3A_23 : vector<16xf32>
      %add3A_42 = arith.addf %mul3A_37, %mul3A_41 : vector<16xf32>
      %swap3A_43 = arith.index_cast %scan3A_22 : i32 to index
      %swap3A_44 = arith.constant 16 : index
      %swap3A_45 = tpu.vector_load %arg10[%swap3A_43, %swap3A_44] {strides = array<i32>} : memref<32x768xf32, #tpu.memory_space<vmem>>, vector<16xf32>,
      tpu.vector_store %arg10[%swap3A_43, %swap3A_44], %add3A_42 {strides = array<i32>} : memref<32x768xf32, #tpu.memory_space<vmem>>, vector<16xf32>,
      %get3A_46 = arith.index_cast %scan3A_22 : i32 to index
      %get3A_47 = arith.constant 32 : index
      %get3A_48 = tpu.vector_load %arg10[%get3A_46, %get3A_47] {strides = array<i32>} : memref<32x768xf32, #tpu.memory_space<vmem>>, vector<16xf32>,
      %mul3A_49 = arith.mulf %get3A_48, %gather3A : vector<16xf32>
      %get3A_50 = arith.index_cast %scan3A_22 : i32 to index
      %get3A_51 = arith.constant 32 : index
      %get3A_52 = tpu.vector_load %arg11[%get3A_50, %get3A_51] {strides = array<i32>} : memref<32x768xf32, #tpu.memory_space<vmem>>, vector<16xf32>,
      %mul3A_53 = arith.mulf %get3A_52, %gather3A_23 : vector<16xf32>
      %add3A_54 = arith.addf %mul3A_49, %mul3A_53 : vector<16xf32>
      %swap3A_55 = arith.index_cast %scan3A_22 : i32 to index
      %swap3A_56 = arith.constant 32 : index
      %swap3A_57 = tpu.vector_load %arg10[%swap3A_55, %swap3A_56] {strides = array<i32>} : memref<32x768xf32, #tpu.memory_space<vmem>>, vector<16xf32>,
      tpu.vector_store %arg10[%swap3A_55, %swap3A_56], %add3A_54 {strides = array<i32>} : memref<32x768xf32, #tpu.memory_space<vmem>>, vector<16xf32>,
      %get3A_58 = arith.index_cast %scan3A_22 : i32 to index
      %get3A_59 = arith.constant 48 : index
      %get3A_60 = tpu.vector_load %arg10[%get3A_58, %get3A_59] {strides = array<i32>} : memref<32x768xf32, #tpu.memory_space<vmem>>, vector<16xf32>,
      %mul3A_61 = arith.mulf %get3A_60, %gather3A : vector<16xf32>
      %get3A_62 = arith.index_cast %scan3A_22 : i32 to index
      %get3A_63 = arith.constant 48 : index
      %get3A_64 = tpu.vector_load %arg11[%get3A_62, %get3A_63] {strides = array<i32>} : memref<32x768xf32, #tpu.memory_space<vmem>>, vector<16xf32>,
      %mul3A_65 = arith.mulf %get3A_64, %gather3A_23 : vector<16xf32>
      %add3A_66 = arith.addf %mul3A_61, %mul3A_65 : vector<16xf32>
      %swap3A_67 = arith.index_cast %scan3A_22 : i32 to index
      %swap3A_68 = arith.constant 48 : index
      %swap3A_69 = tpu.vector_load %arg10[%swap3A_67, %swap3A_68] {strides = array<i32>} : memref<32x768xf32, #tpu.memory_space<vmem>>, vector<16xf32>,
      tpu.vector_store %arg10[%swap3A_67, %swap3A_68], %add3A_66 {strides = array<i32>} : memref<32x768xf32, #tpu.memory_space<vmem>>, vector<16xf32>,
      %get3A_70 = arith.index_cast %scan3A_22 : i32 to index
      %get3A_71 = arith.constant 64 : index
      %get3A_72 = tpu.vector_load %arg10[%get3A_70, %get3A_71] {strides = array<i32>} : memref<32x768xf32, #tpu.memory_space<vmem>>, vector<16xf32>,
      %mul3A_73 = arith.mulf %get3A_72, %gather3A : vector<16xf32>
      %get3A_74 = arith.index_cast %scan3A_22 : i32 to index
      %get3A_75 = arith.constant 64 : index
      %get3A_76 = tpu.vector_load %arg11[%get3A_74, %get3A_75] {strides = array<i32>} : memref<32x768xf32, #tpu.memory_space<vmem>>, vector<16xf32>,
      %mul3A_77 = arith.mulf %get3A_76, %gather3A_23 : vector<16xf32>
      %add3A_78 = arith.addf %mul3A_73, %mul3A_77 : vector<16xf32>
      %swap3A_79 = arith.index_cast %scan3A_22 : i32 to index
      %swap3A_80 = arith.constant 64 : index
      %swap3A_81 = tpu.vector_load %arg10[%swap3A_79, %swap3A_80] {strides = array<i32>} : memref<32x768xf32, #tpu.memory_space<vmem>>, vector<16xf32>,
      tpu.vector_store %arg10[%swap3A_79, %swap3A_80], %add3A_78 {strides = array<i32>} : memref<32x768xf32, #tpu.memory_space<vmem>>, vector<16xf32>,
      %get3A_82 = arith.index_cast %scan3A_22 : i32 to index
      %get3A_83 = arith.constant 80 : index
      %get3A_84 = tpu.vector_load %arg10[%get3A_82, %get3A_83] {strides = array<i32>} : memref<32x768xf32, #tpu.memory_space<vmem>>, vector<16xf32>,
      %mul3A_85 = arith.mulf %get3A_84, %gather3A : vector<16xf32>
      %get3A_86 = arith.index_cast %scan3A_22 : i32 to index
      %get3A_87 = arith.constant 80 : index
      %get3A_88 = tpu.vector_load %arg11[%get3A_86, %get3A_87] {strides = array<i32>} : memref<32x768xf32, #tpu.memory_space<vmem>>, vector<16xf32>,
      %mul3A_89 = arith.mulf %get3A_88, %gather3A_23 : vector<16xf32>
      %add3A_90 = arith.addf %mul3A_85, %mul3A_89 : vector<16xf32>
      %swap3A_91 = arith.index_cast %scan3A_22 : i32 to index
      %swap3A_92 = arith.constant 80 : index
      %swap3A_93 = tpu.vector_load %arg10[%swap3A_91, %swap3A_92] {strides = array<i32>} : memref<32x768xf32, #tpu.memory_space<vmem>>, vector<16xf32>,
      tpu.vector_store %arg10[%swap3A_91, %swap3A_92], %add3A_90 {strides = array<i32>} : memref<32x768xf32, #tpu.memory_space<vmem>>, vector<16xf32>,
      %get3A_94 = arith.index_cast %scan3A_22 : i32 to index
      %get3A_95 = arith.constant 96 : index
      %get3A_96 = tpu.vector_load %arg10[%get3A_94, %get3A_95] {strides = array<i32>} : memref<32x768xf32, #tpu.memory_space<vmem>>, vector<16xf32>,
      %mul3A_97 = arith.mulf %get3A_96, %gather3A : vector<16xf32>
      %get3A_98 = arith.index_cast %scan3A_22 : i32 to index
      %get3A_99 = arith.constant 96 : index
      %get3A_100 = tpu.vector_load %arg11[%get3A_98, %get3A_99] {strides = array<i32>} : memref<32x768xf32, #tpu.memory_space<vmem>>, vector<16xf32>,
      %mul3A_101 = arith.mulf %get3A_100, %gather3A_23 : vector<16xf32>
      %add3A_102 = arith.addf %mul3A_97, %mul3A_101 : vector<16xf32>
      %swap3A_103 = arith.index_cast %scan3A_22 : i32 to index
      %swap3A_104 = arith.constant 96 : index
      %swap3A_105 = tpu.vector_load %arg10[%swap3A_103, %swap3A_104] {strides = array<i32>} : memref<32x768xf32, #tpu.memory_space<vmem>>, vector<16xf32>,
      tpu.vector_store %arg10[%swap3A_103, %swap3A_104], %add3A_102 {strides = array<i32>} : memref<32x768xf32, #tpu.memory_space<vmem>>, vector<16xf32>,
      %get3A_106 = arith.index_cast %scan3A_22 : i32 to index
      %get3A_107 = arith.constant 112 : index
      %get3A_108 = tpu.vector_load %arg10[%get3A_106, %get3A_107] {strides = array<i32>} : memref<32x768xf32, #tpu.memory_space<vmem>>, vector<16xf32>,
      %mul3A_109 = arith.mulf %get3A_108, %gather3A : vector<16xf32>
      %get3A_110 = arith.index_cast %scan3A_22 : i32 to index
      %get3A_111 = arith.constant 112 : index
      %get3A_112 = tpu.vector_load %arg11[%get3A_110, %get3A_111] {strides = array<i32>} : memref<32x768xf32, #tpu.memory_space<vmem>>, vector<16xf32>,
      %mul3A_113 = arith.mulf %get3A_112, %gather3A_23 : vector<16xf32>
      %add3A_114 = arith.addf %mul3A_109, %mul3A_113 : vector<16xf32>
      %swap3A_115 = arith.index_cast %scan3A_22 : i32 to index
      %swap3A_116 = arith.constant 112 : index
      %swap3A_117 = tpu.vector_load %arg10[%swap3A_115, %swap3A_116] {strides = array<i32>} : memref<32x768xf32, #tpu.memory_space<vmem>>, vector<16xf32>,
      tpu.vector_store %arg10[%swap3A_115, %swap3A_116], %add3A_114 {strides = array<i32>} : memref<32x768xf32, #tpu.memory_space<vmem>>, vector<16xf32>,
      %get3A_118 = arith.index_cast %scan3A_22 : i32 to index
      %get3A_119 = arith.constant 128 : index
      %get3A_120 = tpu.vector_load %arg10[%get3A_118, %get3A_119] {strides = array<i32>} : memref<32x768xf32, #tpu.memory_space<vmem>>, vector<16xf32>,
      %mul3A_121 = arith.mulf %get3A_120, %gather3A : vector<16xf32>
      %get3A_122 = arith.index_cast %scan3A_22 : i32 to index
      %get3A_123 = arith.constant 128 : index
      %get3A_124 = tpu.vector_load %arg11[%get3A_122, %get3A_123] {strides = array<i32>} : memref<32x768xf32, #tpu.memory_space<vmem>>, vector<16xf32>,
      %mul3A_125 = arith.mulf %get3A_124, %gather3A_23 : vector<16xf32>
      %add3A_126 = arith.addf %mul3A_121, %mul3A_125 : vector<16xf32>
      %swap3A_127 = arith.index_cast %scan3A_22 : i32 to index
      %swap3A_128 = arith.constant 128 : index
      %swap3A_129 = tpu.vector_load %arg10[%swap3A_127, %swap3A_128] {strides = array<i32>} : memref<32x768xf32, #tpu.memory_space<vmem>>, vector<16xf32>,
      tpu.vector_store %arg10[%swap3A_127, %swap3A_128], %add3A_126 {strides = array<i32>} : memref<32x768xf32, #tpu.memory_space<vmem>>, vector<16xf32>,
      %get3A_130 = arith.index_cast %scan3A_22 : i32 to index
      %get3A_131 = arith.constant 144 : index
      %get3A_132 = tpu.vector_load %arg10[%get3A_130, %get3A_131] {strides = array<i32>} : memref<32x768xf32, #tpu.memory_space<vmem>>, vector<16xf32>,
      %mul3A_133 = arith.mulf %get3A_132, %gather3A : vector<16xf32>
      %get3A_134 = arith.index_cast %scan3A_22 : i32 to index
      %get3A_135 = arith.constant 144 : index
      %get3A_136 = tpu.vector_load %arg11[%get3A_134, %get3A_135] {strides = array<i32>} : memref<32x768xf32, #tpu.memory_space<vmem>>, vector<16xf32>,
      %mul3A_137 = arith.mulf %get3A_136, %gather3A_23 : vector<16xf32>
      %add3A_138 = arith.addf %mul3A_133, %mul3A_137 : vector<16xf32>
      %swap3A_139 = arith.index_cast %scan3A_22 : i32 to index
      %swap3A_140 = arith.constant 144 : index
      %swap3A_141 = tpu.vector_load %arg10[%swap3A_139, %swap3A_140] {strides = array<i32>} : memref<32x768xf32, #tpu.memory_space<vmem>>, vector<16xf32>,
      tpu.vector_store %arg10[%swap3A_139, %swap3A_140], %add3A_138 {strides = array<i32>} : memref<32x768xf32, #tpu.memory_space<vmem>>, vector<16xf32>,
      %get3A_142 = arith.index_cast %scan3A_22 : i32 to index
      %get3A_143 = arith.constant 160 : index
      %get3A_144 = tpu.vector_load %arg10[%get3A_142, %get3A_143] {strides = array<i32>} : memref<32x768xf32, #tpu.memory_space<vmem>>, vector<16xf32>,
      %mul3A_145 = arith.mulf %get3A_144, %gather3A : vector<16xf32>
      %get3A_146 = arith.index_cast %scan3A_22 : i32 to index
      %get3A_147 = arith.constant 160 : index
      %get3A_148 = tpu.vector_load %arg11[%get3A_146, %get3A_147] {strides = array<i32>} : memref<32x768xf32, #tpu.memory_space<vmem>>, vector<16xf32>,
      %mul3A_149 = arith.mulf %get3A_148, %gather3A_23 : vector<16xf32>
      %add3A_150 = arith.addf %mul3A_145, %mul3A_149 : vector<16xf32>
      %swap3A_151 = arith.index_cast %scan3A_22 : i32 to index
      %swap3A_152 = arith.constant 160 : index
      %swap3A_153 = tpu.vector_load %arg10[%swap3A_151, %swap3A_152] {strides = array<i32>} : memref<32x768xf32, #tpu.memory_space<vmem>>, vector<16xf32>,
      tpu.vector_store %arg10[%swap3A_151, %swap3A_152], %add3A_150 {strides = array<i32>} : memref<32x768xf32, #tpu.memory_space<vmem>>, vector<16xf32>,
      %get3A_154 = arith.index_cast %scan3A_22 : i32 to index
      %get3A_155 = arith.constant 176 : index
      %get3A_156 = tpu.vector_load %arg10[%get3A_154, %get3A_155] {strides = array<i32>} : memref<32x768xf32, #tpu.memory_space<vmem>>, vector<16xf32>,
      %mul3A_157 = arith.mulf %get3A_156, %gather3A : vector<16xf32>
      %get3A_158 = arith.index_cast %scan3A_22 : i32 to index
      %get3A_159 = arith.constant 176 : index
      %get3A_160 = tpu.vector_load %arg11[%get3A_158, %get3A_159] {strides = array<i32>} : memref<32x768xf32, #tpu.memory_space<vmem>>, vector<16xf32>,
      %mul3A_161 = arith.mulf %get3A_160, %gather3A_23 : vector<16xf32>
      %add3A_162 = arith.addf %mul3A_157, %mul3A_161 : vector<16xf32>
      %swap3A_163 = arith.index_cast %scan3A_22 : i32 to index
      %swap3A_164 = arith.constant 176 : index
      %swap3A_165 = tpu.vector_load %arg10[%swap3A_163, %swap3A_164] {strides = array<i32>} : memref<32x768xf32, #tpu.memory_space<vmem>>, vector<16xf32>,
      tpu.vector_store %arg10[%swap3A_163, %swap3A_164], %add3A_162 {strides = array<i32>} : memref<32x768xf32, #tpu.memory_space<vmem>>, vector<16xf32>,
      %get3A_166 = arith.index_cast %scan3A_22 : i32 to index
      %get3A_167 = arith.constant 192 : index
      %get3A_168 = tpu.vector_load %arg10[%get3A_166, %get3A_167] {strides = array<i32>} : memref<32x768xf32, #tpu.memory_space<vmem>>, vector<16xf32>,
      %mul3A_169 = arith.mulf %get3A_168, %gather3A : vector<16xf32>
      %get3A_170 = arith.index_cast %scan3A_22 : i32 to index
      %get3A_171 = arith.constant 192 : index
      %get3A_172 = tpu.vector_load %arg11[%get3A_170, %get3A_171] {strides = array<i32>} : memref<32x768xf32, #tpu.memory_space<vmem>>, vector<16xf32>,
      %mul3A_173 = arith.mulf %get3A_172, %gather3A_23 : vector<16xf32>
      %add3A_174 = arith.addf %mul3A_169, %mul3A_173 : vector<16xf32>
      %swap3A_175 = arith.index_cast %scan3A_22 : i32 to index
      %swap3A_176 = arith.constant 192 : index
      %swap3A_177 = tpu.vector_load %arg10[%swap3A_175, %swap3A_176] {strides = array<i32>} : memref<32x768xf32, #tpu.memory_space<vmem>>, vector<16xf32>,
      tpu.vector_store %arg10[%swap3A_175, %swap3A_176], %add3A_174 {strides = array<i32>} : memref<32x768xf32, #tpu.memory_space<vmem>>, vector<16xf32>,
      %get3A_178 = arith.index_cast %scan3A_22 : i32 to index
      %get3A_179 = arith.constant 208 : index
      %get3A_180 = tpu.vector_load %arg10[%get3A_178, %get3A_179] {strides = array<i32>} : memref<32x768xf32, #tpu.memory_space<vmem>>, vector<16xf32>,
      %mul3A_181 = arith.mulf %get3A_180, %gather3A : vector<16xf32>
      %get3A_182 = arith.index_cast %scan3A_22 : i32 to index
      %get3A_183 = arith.constant 208 : index
      %get3A_184 = tpu.vector_load %arg11[%get3A_182, %get3A_183] {strides = array<i32>} : memref<32x768xf32, #tpu.memory_space<vmem>>, vector<16xf32>,
      %mul3A_185 = arith.mulf %get3A_184, %gather3A_23 : vector<16xf32>
      %add3A_186 = arith.addf %mul3A_181, %mul3A_185 : vector<16xf32>
      %swap3A_187 = arith.index_cast %scan3A_22 : i32 to index
      %swap3A_188 = arith.constant 208 : index
      %swap3A_189 = tpu.vector_load %arg10[%swap3A_187, %swap3A_188] {strides = array<i32>} : memref<32x768xf32, #tpu.memory_space<vmem>>, vector<16xf32>,
      tpu.vector_store %arg10[%swap3A_187, %swap3A_188], %add3A_186 {strides = array<i32>} : memref<32x768xf32, #tpu.memory_space<vmem>>, vector<16xf32>,
      %get3A_190 = arith.index_cast %scan3A_22 : i32 to index
      %get3A_191 = arith.constant 224 : index
      %get3A_192 = tpu.vector_load %arg10[%get3A_190, %get3A_191] {strides = array<i32>} : memref<32x768xf32, #tpu.memory_space<vmem>>, vector<16xf32>,
      %mul3A_193 = arith.mulf %get3A_192, %gather3A : vector<16xf32>
      %get3A_194 = arith.index_cast %scan3A_22 : i32 to index
      %get3A_195 = arith.constant 224 : index
      %get3A_196 = tpu.vector_load %arg11[%get3A_194, %get3A_195] {strides = array<i32>} : memref<32x768xf32, #tpu.memory_space<vmem>>, vector<16xf32>,
      %mul3A_197 = arith.mulf %get3A_196, %gather3A_23 : vector<16xf32>
      %add3A_198 = arith.addf %mul3A_193, %mul3A_197 : vector<16xf32>
      %swap3A_199 = arith.index_cast %scan3A_22 : i32 to index
      %swap3A_200 = arith.constant 224 : index
      %swap3A_201 = tpu.vector_load %arg10[%swap3A_199, %swap3A_200] {strides = array<i32>} : memref<32x768xf32, #tpu.memory_space<vmem>>, vector<16xf32>,
      tpu.vector_store %arg10[%swap3A_199, %swap3A_200], %add3A_198 {strides = array<i32>} : memref<32x768xf32, #tpu.memory_space<vmem>>, vector<16xf32>,
      %get3A_202 = arith.index_cast %scan3A_22 : i32 to index
      %get3A_203 = arith.constant 240 : index
      %get3A_204 = tpu.vector_load %arg10[%get3A_202, %get3A_203] {strides = array<i32>} : memref<32x768xf32, #tpu.memory_space<vmem>>, vector<16xf32>,
      %mul3A_205 = arith.mulf %get3A_204, %gather3A : vector<16xf32>
      %get3A_206 = arith.index_cast %scan3A_22 : i32 to index
      %get3A_207 = arith.constant 240 : index
      %get3A_208 = tpu.vector_load %arg11[%get3A_206, %get3A_207] {strides = array<i32>} : memref<32x768xf32, #tpu.memory_space<vmem>>, vector<16xf32>,
      %mul3A_209 = arith.mulf %get3A_208, %gather3A_23 : vector<16xf32>
      %add3A_210 = arith.addf %mul3A_205, %mul3A_209 : vector<16xf32>
      %swap3A_211 = arith.index_cast %scan3A_22 : i32 to index
      %swap3A_212 = arith.constant 240 : index
      %swap3A_213 = tpu.vector_load %arg10[%swap3A_211, %swap3A_212] {strides = array<i32>} : memref<32x768xf32, #tpu.memory_space<vmem>>, vector<16xf32>,
      tpu.vector_store %arg10[%swap3A_211, %swap3A_212], %add3A_210 {strides = array<i32>} : memref<32x768xf32, #tpu.memory_space<vmem>>, vector<16xf32>,
      %get3A_214 = arith.index_cast %scan3A_22 : i32 to index
      %get3A_215 = arith.constant 256 : index
      %get3A_216 = tpu.vector_load %arg10[%get3A_214, %get3A_215] {strides = array<i32>} : memref<32x768xf32, #tpu.memory_space<vmem>>, vector<16xf32>,
      %mul3A_217 = arith.mulf %get3A_216, %gather3A : vector<16xf32>
      %get3A_218 = arith.index_cast %scan3A_22 : i32 to index
      %get3A_219 = arith.constant 256 : index
      %get3A_220 = tpu.vector_load %arg11[%get3A_218, %get3A_219] {strides = array<i32>} : memref<32x768xf32, #tpu.memory_space<vmem>>, vector<16xf32>,
      %mul3A_221 = arith.mulf %get3A_220, %gather3A_23 : vector<16xf32>
      %add3A_222 = arith.addf %mul3A_217, %mul3A_221 : vector<16xf32>
      %swap3A_223 = arith.index_cast %scan3A_22 : i32 to index
      %swap3A_224 = arith.constant 256 : index
      %swap3A_225 = tpu.vector_load %arg10[%swap3A_223, %swap3A_224] {strides = array<i32>} : memref<32x768xf32, #tpu.memory_space<vmem>>, vector<16xf32>,
      tpu.vector_store %arg10[%swap3A_223, %swap3A_224], %add3A_222 {strides = array<i32>} : memref<32x768xf32, #tpu.memory_space<vmem>>, vector<16xf32>,
      %get3A_226 = arith.index_cast %scan3A_22 : i32 to index
      %get3A_227 = arith.constant 272 : index
      %get3A_228 = tpu.vector_load %arg10[%get3A_226, %get3A_227] {strides = array<i32>} : memref<32x768xf32, #tpu.memory_space<vmem>>, vector<16xf32>,
      %mul3A_229 = arith.mulf %get3A_228, %gather3A : vector<16xf32>
      %get3A_230 = arith.index_cast %scan3A_22 : i32 to index
      %get3A_231 = arith.constant 272 : index
      %get3A_232 = tpu.vector_load %arg11[%get3A_230, %get3A_231] {strides = array<i32>} : memref<32x768xf32, #tpu.memory_space<vmem>>, vector<16xf32>,
      %mul3A_233 = arith.mulf %get3A_232, %gather3A_23 : vector<16xf32>
      %add3A_234 = arith.addf %mul3A_229, %mul3A_233 : vector<16xf32>
      %swap3A_235 = arith.index_cast %scan3A_22 : i32 to index
      %swap3A_236 = arith.constant 272 : index
      %swap3A_237 = tpu.vector_load %arg10[%swap3A_235, %swap3A_236] {strides = array<i32>} : memref<32x768xf32, #tpu.memory_space<vmem>>, vector<16xf32>,
      tpu.vector_store %arg10[%swap3A_235, %swap3A_236], %add3A_234 {strides = array<i32>} : memref<32x768xf32, #tpu.memory_space<vmem>>, vector<16xf32>,
      %get3A_238 = arith.index_cast %scan3A_22 : i32 to index
      %get3A_239 = arith.constant 288 : index
      %get3A_240 = tpu.vector_load %arg10[%get3A_238, %get3A_239] {strides = array<i32>} : memref<32x768xf32, #tpu.memory_space<vmem>>, vector<16xf32>,
      %mul3A_241 = arith.mulf %get3A_240, %gather3A : vector<16xf32>
      %get3A_242 = arith.index_cast %scan3A_22 : i32 to index
      %get3A_243 = arith.constant 288 : index
      %get3A_244 = tpu.vector_load %arg11[%get3A_242, %get3A_243] {strides = array<i32>} : memref<32x768xf32, #tpu.memory_space<vmem>>, vector<16xf32>,
      %mul3A_245 = arith.mulf %get3A_244, %gather3A_23 : vector<16xf32>
      %add3A_246 = arith.addf %mul3A_241, %mul3A_245 : vector<16xf32>
      %swap3A_247 = arith.index_cast %scan3A_22 : i32 to index
      %swap3A_248 = arith.constant 288 : index
      %swap3A_249 = tpu.vector_load %arg10[%swap3A_247, %swap3A_248] {strides = array<i32>} : memref<32x768xf32, #tpu.memory_space<vmem>>, vector<16xf32>,
      tpu.vector_store %arg10[%swap3A_247, %swap3A_248], %add3A_246 {strides = array<i32>} : memref<32x768xf32, #tpu.memory_space<vmem>>, vector<16xf32>,
      %get3A_250 = arith.index_cast %scan3A_22 : i32 to index
      %get3A_251 = arith.constant 304 : index
      %get3A_252 = tpu.vector_load %arg10[%get3A_250, %get3A_251] {strides = array<i32>} : memref<32x768xf32, #tpu.memory_space<vmem>>, vector<16xf32>,
      %mul3A_253 = arith.mulf %get3A_252, %gather3A : vector<16xf32>
      %get3A_254 = arith.index_cast %scan3A_22 : i32 to index
      %get3A_255 = arith.constant 304 : index
      %get3A_256 = tpu.vector_load %arg11[%get3A_254, %get3A_255] {strides = array<i32>} : memref<32x768xf32, #tpu.memory_space<vmem>>, vector<16xf32>,
      %mul3A_257 = arith.mulf %get3A_256, %gather3A_23 : vector<16xf32>
      %add3A_258 = arith.addf %mul3A_253, %mul3A_257 : vector<16xf32>
      %swap3A_259 = arith.index_cast %scan3A_22 : i32 to index
      %swap3A_260 = arith.constant 304 : index
      %swap3A_261 = tpu.vector_load %arg10[%swap3A_259, %swap3A_260] {strides = array<i32>} : memref<32x768xf32, #tpu.memory_space<vmem>>, vector<16xf32>,
      tpu.vector_store %arg10[%swap3A_259, %swap3A_260], %add3A_258 {strides = array<i32>} : memref<32x768xf32, #tpu.memory_space<vmem>>, vector<16xf32>,
      %get3A_262 = arith.index_cast %scan3A_22 : i32 to index
      %get3A_263 = arith.constant 320 : index
      %get3A_264 = tpu.vector_load %arg10[%get3A_262, %get3A_263] {strides = array<i32>} : memref<32x768xf32, #tpu.memory_space<vmem>>, vector<16xf32>,
      %mul3A_265 = arith.mulf %get3A_264, %gather3A : vector<16xf32>
      %get3A_266 = arith.index_cast %scan3A_22 : i32 to index
      %get3A_267 = arith.constant 320 : index
      %get3A_268 = tpu.vector_load %arg11[%get3A_266, %get3A_267] {strides = array<i32>} : memref<32x768xf32, #tpu.memory_space<vmem>>, vector<16xf32>,
      %mul3A_269 = arith.mulf %get3A_268, %gather3A_23 : vector<16xf32>
      %add3A_270 = arith.addf %mul3A_265, %mul3A_269 : vector<16xf32>
      %swap3A_271 = arith.index_cast %scan3A_22 : i32 to index
      %swap3A_272 = arith.constant 320 : index
      %swap3A_273 = tpu.vector_load %arg10[%swap3A_271, %swap3A_272] {strides = array<i32>} : memref<32x768xf32, #tpu.memory_space<vmem>>, vector<16xf32>,
      tpu.vector_store %arg10[%swap3A_271, %swap3A_272], %add3A_270 {strides = array<i32>} : memref<32x768xf32, #tpu.memory_space<vmem>>, vector<16xf32>,
      %get3A_274 = arith.index_cast %scan3A_22 : i32 to index
      %get3A_275 = arith.constant 336 : index
      %get3A_276 = tpu.vector_load %arg10[%get3A_274, %get3A_275] {strides = array<i32>} : memref<32x768xf32, #tpu.memory_space<vmem>>, vector<16xf32>,
      %mul3A_277 = arith.mulf %get3A_276, %gather3A : vector<16xf32>
      %get3A_278 = arith.index_cast %scan3A_22 : i32 to index
      %get3A_279 = arith.constant 336 : index
      %get3A_280 = tpu.vector_load %arg11[%get3A_278, %get3A_279] {strides = array<i32>} : memref<32x768xf32, #tpu.memory_space<vmem>>, vector<16xf32>,
      %mul3A_281 = arith.mulf %get3A_280, %gather3A_23 : vector<16xf32>
      %add3A_282 = arith.addf %mul3A_277, %mul3A_281 : vector<16xf32>
      %swap3A_283 = arith.index_cast %scan3A_22 : i32 to index
      %swap3A_284 = arith.constant 336 : index
      %swap3A_285 = tpu.vector_load %arg10[%swap3A_283, %swap3A_284] {strides = array<i32>} : memref<32x768xf32, #tpu.memory_space<vmem>>, vector<16xf32>,
      tpu.vector_store %arg10[%swap3A_283, %swap3A_284], %add3A_282 {strides = array<i32>} : memref<32x768xf32, #tpu.memory_space<vmem>>, vector<16xf32>,
      %get3A_286 = arith.index_cast %scan3A_22 : i32 to index
      %get3A_287 = arith.constant 352 : index
      %get3A_288 = tpu.vector_load %arg10[%get3A_286, %get3A_287] {strides = array<i32>} : memref<32x768xf32, #tpu.memory_space<vmem>>, vector<16xf32>,
      %mul3A_289 = arith.mulf %get3A_288, %gather3A : vector<16xf32>
      %get3A_290 = arith.index_cast %scan3A_22 : i32 to index
      %get3A_291 = arith.constant 352 : index
      %get3A_292 = tpu.vector_load %arg11[%get3A_290, %get3A_291] {strides = array<i32>} : memref<32x768xf32, #tpu.memory_space<vmem>>, vector<16xf32>,
      %mul3A_293 = arith.mulf %get3A_292, %gather3A_23 : vector<16xf32>
      %add3A_294 = arith.addf %mul3A_289, %mul3A_293 : vector<16xf32>
      %swap3A_295 = arith.index_cast %scan3A_22 : i32 to index
      %swap3A_296 = arith.constant 352 : index
      %swap3A_297 = tpu.vector_load %arg10[%swap3A_295, %swap3A_296] {strides = array<i32>} : memref<32x768xf32, #tpu.memory_space<vmem>>, vector<16xf32>,
      tpu.vector_store %arg10[%swap3A_295, %swap3A_296], %add3A_294 {strides = array<i32>} : memref<32x768xf32, #tpu.memory_space<vmem>>, vector<16xf32>,
      %get3A_298 = arith.index_cast %scan3A_22 : i32 to index
      %get3A_299 = arith.constant 368 : index
      %get3A_300 = tpu.vector_load %arg10[%get3A_298, %get3A_299] {strides = array<i32>} : memref<32x768xf32, #tpu.memory_space<vmem>>, vector<16xf32>,
      %mul3A_301 = arith.mulf %get3A_300, %gather3A : vector<16xf32>
      %get3A_302 = arith.index_cast %scan3A_22 : i32 to index
      %get3A_303 = arith.constant 368 : index
      %get3A_304 = tpu.vector_load %arg11[%get3A_302, %get3A_303] {strides = array<i32>} : memref<32x768xf32, #tpu.memory_space<vmem>>, vector<16xf32>,
      %mul3A_305 = arith.mulf %get3A_304, %gather3A_23 : vector<16xf32>
      %add3A_306 = arith.addf %mul3A_301, %mul3A_305 : vector<16xf32>
      %swap3A_307 = arith.index_cast %scan3A_22 : i32 to index
      %swap3A_308 = arith.constant 368 : index
      %swap3A_309 = tpu.vector_load %arg10[%swap3A_307, %swap3A_308] {strides = array<i32>} : memref<32x768xf32, #tpu.memory_space<vmem>>, vector<16xf32>,
      tpu.vector_store %arg10[%swap3A_307, %swap3A_308], %add3A_306 {strides = array<i32>} : memref<32x768xf32, #tpu.memory_space<vmem>>, vector<16xf32>,
      %get3A_310 = arith.index_cast %scan3A_22 : i32 to index
      %get3A_311 = arith.constant 384 : index
      %get3A_312 = tpu.vector_load %arg10[%get3A_310, %get3A_311] {strides = array<i32>} : memref<32x768xf32, #tpu.memory_space<vmem>>, vector<16xf32>,
      %mul3A_313 = arith.mulf %get3A_312, %gather3A : vector<16xf32>
      %get3A_314 = arith.index_cast %scan3A_22 : i32 to index
      %get3A_315 = arith.constant 384 : index
      %get3A_316 = tpu.vector_load %arg11[%get3A_314, %get3A_315] {strides = array<i32>} : memref<32x768xf32, #tpu.memory_space<vmem>>, vector<16xf32>,
      %mul3A_317 = arith.mulf %get3A_316, %gather3A_23 : vector<16xf32>
      %add3A_318 = arith.addf %mul3A_313, %mul3A_317 : vector<16xf32>
      %swap3A_319 = arith.index_cast %scan3A_22 : i32 to index
      %swap3A_320 = arith.constant 384 : index
      %swap3A_321 = tpu.vector_load %arg10[%swap3A_319, %swap3A_320] {strides = array<i32>} : memref<32x768xf32, #tpu.memory_space<vmem>>, vector<16xf32>,
      tpu.vector_store %arg10[%swap3A_319, %swap3A_320], %add3A_318 {strides = array<i32>} : memref<32x768xf32, #tpu.memory_space<vmem>>, vector<16xf32>,
      %get3A_322 = arith.index_cast %scan3A_22 : i32 to index
      %get3A_323 = arith.constant 400 : index
      %get3A_324 = tpu.vector_load %arg10[%get3A_322, %get3A_323] {strides = array<i32>} : memref<32x768xf32, #tpu.memory_space<vmem>>, vector<16xf32>,
      %mul3A_325 = arith.mulf %get3A_324, %gather3A : vector<16xf32>
      %get3A_326 = arith.index_cast %scan3A_22 : i32 to index
      %get3A_327 = arith.constant 400 : index
      %get3A_328 = tpu.vector_load %arg11[%get3A_326, %get3A_327] {strides = array<i32>} : memref<32x768xf32, #tpu.memory_space<vmem>>, vector<16xf32>,
      %mul3A_329 = arith.mulf %get3A_328, %gather3A_23 : vector<16xf32>
      %add3A_330 = arith.addf %mul3A_325, %mul3A_329 : vector<16xf32>
      %swap3A_331 = arith.index_cast %scan3A_22 : i32 to index
      %swap3A_332 = arith.constant 400 : index
      %swap3A_333 = tpu.vector_load %arg10[%swap3A_331, %swap3A_332] {strides = array<i32>} : memref<32x768xf32, #tpu.memory_space<vmem>>, vector<16xf32>,
      tpu.vector_store %arg10[%swap3A_331, %swap3A_332], %add3A_330 {strides = array<i32>} : memref<32x768xf32, #tpu.memory_space<vmem>>, vector<16xf32>,
      %get3A_334 = arith.index_cast %scan3A_22 : i32 to index
      %get3A_335 = arith.constant 416 : index
      %get3A_336 = tpu.vector_load %arg10[%get3A_334, %get3A_335] {strides = array<i32>} : memref<32x768xf32, #tpu.memory_space<vmem>>, vector<16xf32>,
      %mul3A_337 = arith.mulf %get3A_336, %gather3A : vector<16xf32>
      %get3A_338 = arith.index_cast %scan3A_22 : i32 to index
      %get3A_339 = arith.constant 416 : index
      %get3A_340 = tpu.vector_load %arg11[%get3A_338, %get3A_339] {strides = array<i32>} : memref<32x768xf32, #tpu.memory_space<vmem>>, vector<16xf32>,
      %mul3A_341 = arith.mulf %get3A_340, %gather3A_23 : vector<16xf32>
      %add3A_342 = arith.addf %mul3A_337, %mul3A_341 : vector<16xf32>
      %swap3A_343 = arith.index_cast %scan3A_22 : i32 to index
      %swap3A_344 = arith.constant 416 : index
      %swap3A_345 = tpu.vector_load %arg10[%swap3A_343, %swap3A_344] {strides = array<i32>} : memref<32x768xf32, #tpu.memory_space<vmem>>, vector<16xf32>,
      tpu.vector_store %arg10[%swap3A_343, %swap3A_344], %add3A_342 {strides = array<i32>} : memref<32x768xf32, #tpu.memory_space<vmem>>, vector<16xf32>,
      %get3A_346 = arith.index_cast %scan3A_22 : i32 to index
      %get3A_347 = arith.constant 432 : index
      %get3A_348 = tpu.vector_load %arg10[%get3A_346, %get3A_347] {strides = array<i32>} : memref<32x768xf32, #tpu.memory_space<vmem>>, vector<16xf32>,
      %mul3A_349 = arith.mulf %get3A_348, %gather3A : vector<16xf32>
      %get3A_350 = arith.index_cast %scan3A_22 : i32 to index
      %get3A_351 = arith.constant 432 : index
      %get3A_352 = tpu.vector_load %arg11[%get3A_350, %get3A_351] {strides = array<i32>} : memref<32x768xf32, #tpu.memory_space<vmem>>, vector<16xf32>,
      %mul3A_353 = arith.mulf %get3A_352, %gather3A_23 : vector<16xf32>
      %add3A_354 = arith.addf %mul3A_349, %mul3A_353 : vector<16xf32>
      %swap3A_355 = arith.index_cast %scan3A_22 : i32 to index
      %swap3A_356 = arith.constant 432 : index
      %swap3A_357 = tpu.vector_load %arg10[%swap3A_355, %swap3A_356] {strides = array<i32>} : memref<32x768xf32, #tpu.memory_space<vmem>>, vector<16xf32>,
      tpu.vector_store %arg10[%swap3A_355, %swap3A_356], %add3A_354 {strides = array<i32>} : memref<32x768xf32, #tpu.memory_space<vmem>>, vector<16xf32>,
      %get3A_358 = arith.index_cast %scan3A_22 : i32 to index
      %get3A_359 = arith.constant 448 : index
      %get3A_360 = tpu.vector_load %arg10[%get3A_358, %get3A_359] {strides = array<i32>} : memref<32x768xf32, #tpu.memory_space<vmem>>, vector<16xf32>,
      %mul3A_361 = arith.mulf %get3A_360, %gather3A : vector<16xf32>
      %get3A_362 = arith.index_cast %scan3A_22 : i32 to index
      %get3A_363 = arith.constant 448 : index
      %get3A_364 = tpu.vector_load %arg11[%get3A_362, %get3A_363] {strides = array<i32>} : memref<32x768xf32, #tpu.memory_space<vmem>>, vector<16xf32>,
      %mul3A_365 = arith.mulf %get3A_364, %gather3A_23 : vector<16xf32>
      %add3A_366 = arith.addf %mul3A_361, %mul3A_365 : vector<16xf32>
      %swap3A_367 = arith.index_cast %scan3A_22 : i32 to index
      %swap3A_368 = arith.constant 448 : index
      %swap3A_369 = tpu.vector_load %arg10[%swap3A_367, %swap3A_368] {strides = array<i32>} : memref<32x768xf32, #tpu.memory_space<vmem>>, vector<16xf32>,
      tpu.vector_store %arg10[%swap3A_367, %swap3A_368], %add3A_366 {strides = array<i32>} : memref<32x768xf32, #tpu.memory_space<vmem>>, vector<16xf32>,
      %get3A_370 = arith.index_cast %scan3A_22 : i32 to index
      %get3A_371 = arith.constant 464 : index
      %get3A_372 = tpu.vector_load %arg10[%get3A_370, %get3A_371] {strides = array<i32>} : memref<32x768xf32, #tpu.memory_space<vmem>>, vector<16xf32>,
      %mul3A_373 = arith.mulf %get3A_372, %gather3A : vector<16xf32>
      %get3A_374 = arith.index_cast %scan3A_22 : i32 to index
      %get3A_375 = arith.constant 464 : index
      %get3A_376 = tpu.vector_load %arg11[%get3A_374, %get3A_375] {strides = array<i32>} : memref<32x768xf32, #tpu.memory_space<vmem>>, vector<16xf32>,
      %mul3A_377 = arith.mulf %get3A_376, %gather3A_23 : vector<16xf32>
      %add3A_378 = arith.addf %mul3A_373, %mul3A_377 : vector<16xf32>
      %swap3A_379 = arith.index_cast %scan3A_22 : i32 to index
      %swap3A_380 = arith.constant 464 : index
      %swap3A_381 = tpu.vector_load %arg10[%swap3A_379, %swap3A_380] {strides = array<i32>} : memref<32x768xf32, #tpu.memory_space<vmem>>, vector<16xf32>,
      tpu.vector_store %arg10[%swap3A_379, %swap3A_380], %add3A_378 {strides = array<i32>} : memref<32x768xf32, #tpu.memory_space<vmem>>, vector<16xf32>,
      %get3A_382 = arith.index_cast %scan3A_22 : i32 to index
      %get3A_383 = arith.constant 480 : index
      %get3A_384 = tpu.vector_load %arg10[%get3A_382, %get3A_383] {strides = array<i32>} : memref<32x768xf32, #tpu.memory_space<vmem>>, vector<16xf32>,
      %mul3A_385 = arith.mulf %get3A_384, %gather3A : vector<16xf32>
      %get3A_386 = arith.index_cast %scan3A_22 : i32 to index
      %get3A_387 = arith.constant 480 : index
      %get3A_388 = tpu.vector_load %arg11[%get3A_386, %get3A_387] {strides = array<i32>} : memref<32x768xf32, #tpu.memory_space<vmem>>, vector<16xf32>,
      %mul3A_389 = arith.mulf %get3A_388, %gather3A_23 : vector<16xf32>
      %add3A_390 = arith.addf %mul3A_385, %mul3A_389 : vector<16xf32>
      %swap3A_391 = arith.index_cast %scan3A_22 : i32 to index
      %swap3A_392 = arith.constant 480 : index
      %swap3A_393 = tpu.vector_load %arg10[%swap3A_391, %swap3A_392] {strides = array<i32>} : memref<32x768xf32, #tpu.memory_space<vmem>>, vector<16xf32>,
      tpu.vector_store %arg10[%swap3A_391, %swap3A_392], %add3A_390 {strides = array<i32>} : memref<32x768xf32, #tpu.memory_space<vmem>>, vector<16xf32>,
      %get3A_394 = arith.index_cast %scan3A_22 : i32 to index
      %get3A_395 = arith.constant 496 : index
      %get3A_396 = tpu.vector_load %arg10[%get3A_394, %get3A_395] {strides = array<i32>} : memref<32x768xf32, #tpu.memory_space<vmem>>, vector<16xf32>,
      %mul3A_397 = arith.mulf %get3A_396, %gather3A : vector<16xf32>
      %get3A_398 = arith.index_cast %scan3A_22 : i32 to index
      %get3A_399 = arith.constant 496 : index
      %get3A_400 = tpu.vector_load %arg11[%get3A_398, %get3A_399] {strides = array<i32>} : memref<32x768xf32, #tpu.memory_space<vmem>>, vector<16xf32>,
      %mul3A_401 = arith.mulf %get3A_400, %gather3A_23 : vector<16xf32>
      %add3A_402 = arith.addf %mul3A_397, %mul3A_401 : vector<16xf32>
      %swap3A_403 = arith.index_cast %scan3A_22 : i32 to index
      %swap3A_404 = arith.constant 496 : index
      %swap3A_405 = tpu.vector_load %arg10[%swap3A_403, %swap3A_404] {strides = array<i32>} : memref<32x768xf32, #tpu.memory_space<vmem>>, vector<16xf32>,
      tpu.vector_store %arg10[%swap3A_403, %swap3A_404], %add3A_402 {strides = array<i32>} : memref<32x768xf32, #tpu.memory_space<vmem>>, vector<16xf32>,
      %get3A_406 = arith.index_cast %scan3A_22 : i32 to index
      %get3A_407 = arith.constant 512 : index
      %get3A_408 = tpu.vector_load %arg10[%get3A_406, %get3A_407] {strides = array<i32>} : memref<32x768xf32, #tpu.memory_space<vmem>>, vector<16xf32>,
      %mul3A_409 = arith.mulf %get3A_408, %gather3A : vector<16xf32>
      %get3A_410 = arith.index_cast %scan3A_22 : i32 to index
      %get3A_411 = arith.constant 512 : index
      %get3A_412 = tpu.vector_load %arg11[%get3A_410, %get3A_411] {strides = array<i32>} : memref<32x768xf32, #tpu.memory_space<vmem>>, vector<16xf32>,
      %mul3A_413 = arith.mulf %get3A_412, %gather3A_23 : vector<16xf32>
      %add3A_414 = arith.addf %mul3A_409, %mul3A_413 : vector<16xf32>
      %swap3A_415 = arith.index_cast %scan3A_22 : i32 to index
      %swap3A_416 = arith.constant 512 : index
      %swap3A_417 = tpu.vector_load %arg10[%swap3A_415, %swap3A_416] {strides = array<i32>} : memref<32x768xf32, #tpu.memory_space<vmem>>, vector<16xf32>,
      tpu.vector_store %arg10[%swap3A_415, %swap3A_416], %add3A_414 {strides = array<i32>} : memref<32x768xf32, #tpu.memory_space<vmem>>, vector<16xf32>,
      %get3A_418 = arith.index_cast %scan3A_22 : i32 to index
      %get3A_419 = arith.constant 528 : index
      %get3A_420 = tpu.vector_load %arg10[%get3A_418, %get3A_419] {strides = array<i32>} : memref<32x768xf32, #tpu.memory_space<vmem>>, vector<16xf32>,
      %mul3A_421 = arith.mulf %get3A_420, %gather3A : vector<16xf32>
      %get3A_422 = arith.index_cast %scan3A_22 : i32 to index
      %get3A_423 = arith.constant 528 : index
      %get3A_424 = tpu.vector_load %arg11[%get3A_422, %get3A_423] {strides = array<i32>} : memref<32x768xf32, #tpu.memory_space<vmem>>, vector<16xf32>,
      %mul3A_425 = arith.mulf %get3A_424, %gather3A_23 : vector<16xf32>
      %add3A_426 = arith.addf %mul3A_421, %mul3A_425 : vector<16xf32>
      %swap3A_427 = arith.index_cast %scan3A_22 : i32 to index
      %swap3A_428 = arith.constant 528 : index
      %swap3A_429 = tpu.vector_load %arg10[%swap3A_427, %swap3A_428] {strides = array<i32>} : memref<32x768xf32, #tpu.memory_space<vmem>>, vector<16xf32>,
      tpu.vector_store %arg10[%swap3A_427, %swap3A_428], %add3A_426 {strides = array<i32>} : memref<32x768xf32, #tpu.memory_space<vmem>>, vector<16xf32>,
      %get3A_430 = arith.index_cast %scan3A_22 : i32 to index
      %get3A_431 = arith.constant 544 : index
      %get3A_432 = tpu.vector_load %arg10[%get3A_430, %get3A_431] {strides = array<i32>} : memref<32x768xf32, #tpu.memory_space<vmem>>, vector<16xf32>,
      %mul3A_433 = arith.mulf %get3A_432, %gather3A : vector<16xf32>
      %get3A_434 = arith.index_cast %scan3A_22 : i32 to index
      %get3A_435 = arith.constant 544 : index
      %get3A_436 = tpu.vector_load %arg11[%get3A_434, %get3A_435] {strides = array<i32>} : memref<32x768xf32, #tpu.memory_space<vmem>>, vector<16xf32>,
      %mul3A_437 = arith.mulf %get3A_436, %gather3A_23 : vector<16xf32>
      %add3A_438 = arith.addf %mul3A_433, %mul3A_437 : vector<16xf32>
      %swap3A_439 = arith.index_cast %scan3A_22 : i32 to index
      %swap3A_440 = arith.constant 544 : index
      %swap3A_441 = tpu.vector_load %arg10[%swap3A_439, %swap3A_440] {strides = array<i32>} : memref<32x768xf32, #tpu.memory_space<vmem>>, vector<16xf32>,
      tpu.vector_store %arg10[%swap3A_439, %swap3A_440], %add3A_438 {strides = array<i32>} : memref<32x768xf32, #tpu.memory_space<vmem>>, vector<16xf32>,
      %get3A_442 = arith.index_cast %scan3A_22 : i32 to index
      %get3A_443 = arith.constant 560 : index
      %get3A_444 = tpu.vector_load %arg10[%get3A_442, %get3A_443] {strides = array<i32>} : memref<32x768xf32, #tpu.memory_space<vmem>>, vector<16xf32>,
      %mul3A_445 = arith.mulf %get3A_444, %gather3A : vector<16xf32>
      %get3A_446 = arith.index_cast %scan3A_22 : i32 to index
      %get3A_447 = arith.constant 560 : index
      %get3A_448 = tpu.vector_load %arg11[%get3A_446, %get3A_447] {strides = array<i32>} : memref<32x768xf32, #tpu.memory_space<vmem>>, vector<16xf32>,
      %mul3A_449 = arith.mulf %get3A_448, %gather3A_23 : vector<16xf32>
      %add3A_450 = arith.addf %mul3A_445, %mul3A_449 : vector<16xf32>
      %swap3A_451 = arith.index_cast %scan3A_22 : i32 to index
      %swap3A_452 = arith.constant 560 : index
      %swap3A_453 = tpu.vector_load %arg10[%swap3A_451, %swap3A_452] {strides = array<i32>} : memref<32x768xf32, #tpu.memory_space<vmem>>, vector<16xf32>,
      tpu.vector_store %arg10[%swap3A_451, %swap3A_452], %add3A_450 {strides = array<i32>} : memref<32x768xf32, #tpu.memory_space<vmem>>, vector<16xf32>,
      %get3A_454 = arith.index_cast %scan3A_22 : i32 to index
      %get3A_455 = arith.constant 576 : index
      %get3A_456 = tpu.vector_load %arg10[%get3A_454, %get3A_455] {strides = array<i32>} : memref<32x768xf32, #tpu.memory_space<vmem>>, vector<16xf32>,
      %mul3A_457 = arith.mulf %get3A_456, %gather3A : vector<16xf32>
      %get3A_458 = arith.index_cast %scan3A_22 : i32 to index
      %get3A_459 = arith.constant 576 : index
      %get3A_460 = tpu.vector_load %arg11[%get3A_458, %get3A_459] {strides = array<i32>} : memref<32x768xf32, #tpu.memory_space<vmem>>, vector<16xf32>,
      %mul3A_461 = arith.mulf %get3A_460, %gather3A_23 : vector<16xf32>
      %add3A_462 = arith.addf %mul3A_457, %mul3A_461 : vector<16xf32>
      %swap3A_463 = arith.index_cast %scan3A_22 : i32 to index
      %swap3A_464 = arith.constant 576 : index
      %swap3A_465 = tpu.vector_load %arg10[%swap3A_463, %swap3A_464] {strides = array<i32>} : memref<32x768xf32, #tpu.memory_space<vmem>>, vector<16xf32>,
      tpu.vector_store %arg10[%swap3A_463, %swap3A_464], %add3A_462 {strides = array<i32>} : memref<32x768xf32, #tpu.memory_space<vmem>>, vector<16xf32>,
      %get3A_466 = arith.index_cast %scan3A_22 : i32 to index
      %get3A_467 = arith.constant 592 : index
      %get3A_468 = tpu.vector_load %arg10[%get3A_466, %get3A_467] {strides = array<i32>} : memref<32x768xf32, #tpu.memory_space<vmem>>, vector<16xf32>,
      %mul3A_469 = arith.mulf %get3A_468, %gather3A : vector<16xf32>
      %get3A_470 = arith.index_cast %scan3A_22 : i32 to index
      %get3A_471 = arith.constant 592 : index
      %get3A_472 = tpu.vector_load %arg11[%get3A_470, %get3A_471] {strides = array<i32>} : memref<32x768xf32, #tpu.memory_space<vmem>>, vector<16xf32>,
      %mul3A_473 = arith.mulf %get3A_472, %gather3A_23 : vector<16xf32>
      %add3A_474 = arith.addf %mul3A_469, %mul3A_473 : vector<16xf32>
      %swap3A_475 = arith.index_cast %scan3A_22 : i32 to index
      %swap3A_476 = arith.constant 592 : index
      %swap3A_477 = tpu.vector_load %arg10[%swap3A_475, %swap3A_476] {strides = array<i32>} : memref<32x768xf32, #tpu.memory_space<vmem>>, vector<16xf32>,
      tpu.vector_store %arg10[%swap3A_475, %swap3A_476], %add3A_474 {strides = array<i32>} : memref<32x768xf32, #tpu.memory_space<vmem>>, vector<16xf32>,
      %get3A_478 = arith.index_cast %scan3A_22 : i32 to index
      %get3A_479 = arith.constant 608 : index
      %get3A_480 = tpu.vector_load %arg10[%get3A_478, %get3A_479] {strides = array<i32>} : memref<32x768xf32, #tpu.memory_space<vmem>>, vector<16xf32>,
      %mul3A_481 = arith.mulf %get3A_480, %gather3A : vector<16xf32>
      %get3A_482 = arith.index_cast %scan3A_22 : i32 to index
      %get3A_483 = arith.constant 608 : index
      %get3A_484 = tpu.vector_load %arg11[%get3A_482, %get3A_483] {strides = array<i32>} : memref<32x768xf32, #tpu.memory_space<vmem>>, vector<16xf32>,
      %mul3A_485 = arith.mulf %get3A_484, %gather3A_23 : vector<16xf32>
      %add3A_486 = arith.addf %mul3A_481, %mul3A_485 : vector<16xf32>
      %swap3A_487 = arith.index_cast %scan3A_22 : i32 to index
      %swap3A_488 = arith.constant 608 : index
      %swap3A_489 = tpu.vector_load %arg10[%swap3A_487, %swap3A_488] {strides = array<i32>} : memref<32x768xf32, #tpu.memory_space<vmem>>, vector<16xf32>,
      tpu.vector_store %arg10[%swap3A_487, %swap3A_488], %add3A_486 {strides = array<i32>} : memref<32x768xf32, #tpu.memory_space<vmem>>, vector<16xf32>,
      %get3A_490 = arith.index_cast %scan3A_22 : i32 to index
      %get3A_491 = arith.constant 624 : index
      %get3A_492 = tpu.vector_load %arg10[%get3A_490, %get3A_491] {strides = array<i32>} : memref<32x768xf32, #tpu.memory_space<vmem>>, vector<16xf32>,
      %mul3A_493 = arith.mulf %get3A_492, %gather3A : vector<16xf32>
      %get3A_494 = arith.index_cast %scan3A_22 : i32 to index
      %get3A_495 = arith.constant 624 : index
      %get3A_496 = tpu.vector_load %arg11[%get3A_494, %get3A_495] {strides = array<i32>} : memref<32x768xf32, #tpu.memory_space<vmem>>, vector<16xf32>,
      %mul3A_497 = arith.mulf %get3A_496, %gather3A_23 : vector<16xf32>
      %add3A_498 = arith.addf %mul3A_493, %mul3A_497 : vector<16xf32>
      %swap3A_499 = arith.index_cast %scan3A_22 : i32 to index
      %swap3A_500 = arith.constant 624 : index
      %swap3A_501 = tpu.vector_load %arg10[%swap3A_499, %swap3A_500] {strides = array<i32>} : memref<32x768xf32, #tpu.memory_space<vmem>>, vector<16xf32>,
      tpu.vector_store %arg10[%swap3A_499, %swap3A_500], %add3A_498 {strides = array<i32>} : memref<32x768xf32, #tpu.memory_space<vmem>>, vector<16xf32>,
      %get3A_502 = arith.index_cast %scan3A_22 : i32 to index
      %get3A_503 = arith.constant 640 : index
      %get3A_504 = tpu.vector_load %arg10[%get3A_502, %get3A_503] {strides = array<i32>} : memref<32x768xf32, #tpu.memory_space<vmem>>, vector<16xf32>,
      %mul3A_505 = arith.mulf %get3A_504, %gather3A : vector<16xf32>
      %get3A_506 = arith.index_cast %scan3A_22 : i32 to index
      %get3A_507 = arith.constant 640 : index
      %get3A_508 = tpu.vector_load %arg11[%get3A_506, %get3A_507] {strides = array<i32>} : memref<32x768xf32, #tpu.memory_space<vmem>>, vector<16xf32>,
      %mul3A_509 = arith.mulf %get3A_508, %gather3A_23 : vector<16xf32>
      %add3A_510 = arith.addf %mul3A_505, %mul3A_509 : vector<16xf32>
      %swap3A_511 = arith.index_cast %scan3A_22 : i32 to index
      %swap3A_512 = arith.constant 640 : index
      %swap3A_513 = tpu.vector_load %arg10[%swap3A_511, %swap3A_512] {strides = array<i32>} : memref<32x768xf32, #tpu.memory_space<vmem>>, vector<16xf32>,
      tpu.vector_store %arg10[%swap3A_511, %swap3A_512], %add3A_510 {strides = array<i32>} : memref<32x768xf32, #tpu.memory_space<vmem>>, vector<16xf32>,
      %get3A_514 = arith.index_cast %scan3A_22 : i32 to index
      %get3A_515 = arith.constant 656 : index
      %get3A_516 = tpu.vector_load %arg10[%get3A_514, %get3A_515] {strides = array<i32>} : memref<32x768xf32, #tpu.memory_space<vmem>>, vector<16xf32>,
      %mul3A_517 = arith.mulf %get3A_516, %gather3A : vector<16xf32>
      %get3A_518 = arith.index_cast %scan3A_22 : i32 to index
      %get3A_519 = arith.constant 656 : index
      %get3A_520 = tpu.vector_load %arg11[%get3A_518, %get3A_519] {strides = array<i32>} : memref<32x768xf32, #tpu.memory_space<vmem>>, vector<16xf32>,
      %mul3A_521 = arith.mulf %get3A_520, %gather3A_23 : vector<16xf32>
      %add3A_522 = arith.addf %mul3A_517, %mul3A_521 : vector<16xf32>
      %swap3A_523 = arith.index_cast %scan3A_22 : i32 to index
      %swap3A_524 = arith.constant 656 : index
      %swap3A_525 = tpu.vector_load %arg10[%swap3A_523, %swap3A_524] {strides = array<i32>} : memref<32x768xf32, #tpu.memory_space<vmem>>, vector<16xf32>,
      tpu.vector_store %arg10[%swap3A_523, %swap3A_524], %add3A_522 {strides = array<i32>} : memref<32x768xf32, #tpu.memory_space<vmem>>, vector<16xf32>,
      %get3A_526 = arith.index_cast %scan3A_22 : i32 to index
      %get3A_527 = arith.constant 672 : index
      %get3A_528 = tpu.vector_load %arg10[%get3A_526, %get3A_527] {strides = array<i32>} : memref<32x768xf32, #tpu.memory_space<vmem>>, vector<16xf32>,
      %mul3A_529 = arith.mulf %get3A_528, %gather3A : vector<16xf32>
      %get3A_530 = arith.index_cast %scan3A_22 : i32 to index
      %get3A_531 = arith.constant 672 : index
      %get3A_532 = tpu.vector_load %arg11[%get3A_530, %get3A_531] {strides = array<i32>} : memref<32x768xf32, #tpu.memory_space<vmem>>, vector<16xf32>,
      %mul3A_533 = arith.mulf %get3A_532, %gather3A_23 : vector<16xf32>
      %add3A_534 = arith.addf %mul3A_529, %mul3A_533 : vector<16xf32>
      %swap3A_535 = arith.index_cast %scan3A_22 : i32 to index
      %swap3A_536 = arith.constant 672 : index
      %swap3A_537 = tpu.vector_load %arg10[%swap3A_535, %swap3A_536] {strides = array<i32>} : memref<32x768xf32, #tpu.memory_space<vmem>>, vector<16xf32>,
      tpu.vector_store %arg10[%swap3A_535, %swap3A_536], %add3A_534 {strides = array<i32>} : memref<32x768xf32, #tpu.memory_space<vmem>>, vector<16xf32>,
      %get3A_538 = arith.index_cast %scan3A_22 : i32 to index
      %get3A_539 = arith.constant 688 : index
      %get3A_540 = tpu.vector_load %arg10[%get3A_538, %get3A_539] {strides = array<i32>} : memref<32x768xf32, #tpu.memory_space<vmem>>, vector<16xf32>,
      %mul3A_541 = arith.mulf %get3A_540, %gather3A : vector<16xf32>
      %get3A_542 = arith.index_cast %scan3A_22 : i32 to index
      %get3A_543 = arith.constant 688 : index
      %get3A_544 = tpu.vector_load %arg11[%get3A_542, %get3A_543] {strides = array<i32>} : memref<32x768xf32, #tpu.memory_space<vmem>>, vector<16xf32>,
      %mul3A_545 = arith.mulf %get3A_544, %gather3A_23 : vector<16xf32>
      %add3A_546 = arith.addf %mul3A_541, %mul3A_545 : vector<16xf32>
      %swap3A_547 = arith.index_cast %scan3A_22 : i32 to index
      %swap3A_548 = arith.constant 688 : index
      %swap3A_549 = tpu.vector_load %arg10[%swap3A_547, %swap3A_548] {strides = array<i32>} : memref<32x768xf32, #tpu.memory_space<vmem>>, vector<16xf32>,
      tpu.vector_store %arg10[%swap3A_547, %swap3A_548], %add3A_546 {strides = array<i32>} : memref<32x768xf32, #tpu.memory_space<vmem>>, vector<16xf32>,
      %get3A_550 = arith.index_cast %scan3A_22 : i32 to index
      %get3A_551 = arith.constant 704 : index
      %get3A_552 = tpu.vector_load %arg10[%get3A_550, %get3A_551] {strides = array<i32>} : memref<32x768xf32, #tpu.memory_space<vmem>>, vector<16xf32>,
      %mul3A_553 = arith.mulf %get3A_552, %gather3A : vector<16xf32>
      %get3A_554 = arith.index_cast %scan3A_22 : i32 to index
      %get3A_555 = arith.constant 704 : index
      %get3A_556 = tpu.vector_load %arg11[%get3A_554, %get3A_555] {strides = array<i32>} : memref<32x768xf32, #tpu.memory_space<vmem>>, vector<16xf32>,
      %mul3A_557 = arith.mulf %get3A_556, %gather3A_23 : vector<16xf32>
      %add3A_558 = arith.addf %mul3A_553, %mul3A_557 : vector<16xf32>
      %swap3A_559 = arith.index_cast %scan3A_22 : i32 to index
      %swap3A_560 = arith.constant 704 : index
      %swap3A_561 = tpu.vector_load %arg10[%swap3A_559, %swap3A_560] {strides = array<i32>} : memref<32x768xf32, #tpu.memory_space<vmem>>, vector<16xf32>,
      tpu.vector_store %arg10[%swap3A_559, %swap3A_560], %add3A_558 {strides = array<i32>} : memref<32x768xf32, #tpu.memory_space<vmem>>, vector<16xf32>,
      %get3A_562 = arith.index_cast %scan3A_22 : i32 to index
      %get3A_563 = arith.constant 720 : index
      %get3A_564 = tpu.vector_load %arg10[%get3A_562, %get3A_563] {strides = array<i32>} : memref<32x768xf32, #tpu.memory_space<vmem>>, vector<16xf32>,
      %mul3A_565 = arith.mulf %get3A_564, %gather3A : vector<16xf32>
      %get3A_566 = arith.index_cast %scan3A_22 : i32 to index
      %get3A_567 = arith.constant 720 : index
      %get3A_568 = tpu.vector_load %arg11[%get3A_566, %get3A_567] {strides = array<i32>} : memref<32x768xf32, #tpu.memory_space<vmem>>, vector<16xf32>,
      %mul3A_569 = arith.mulf %get3A_568, %gather3A_23 : vector<16xf32>
      %add3A_570 = arith.addf %mul3A_565, %mul3A_569 : vector<16xf32>
      %swap3A_571 = arith.index_cast %scan3A_22 : i32 to index
      %swap3A_572 = arith.constant 720 : index
      %swap3A_573 = tpu.vector_load %arg10[%swap3A_571, %swap3A_572] {strides = array<i32>} : memref<32x768xf32, #tpu.memory_space<vmem>>, vector<16xf32>,
      tpu.vector_store %arg10[%swap3A_571, %swap3A_572], %add3A_570 {strides = array<i32>} : memref<32x768xf32, #tpu.memory_space<vmem>>, vector<16xf32>,
      %get3A_574 = arith.index_cast %scan3A_22 : i32 to index
      %get3A_575 = arith.constant 736 : index
      %get3A_576 = tpu.vector_load %arg10[%get3A_574, %get3A_575] {strides = array<i32>} : memref<32x768xf32, #tpu.memory_space<vmem>>, vector<16xf32>,
      %mul3A_577 = arith.mulf %get3A_576, %gather3A : vector<16xf32>
      %get3A_578 = arith.index_cast %scan3A_22 : i32 to index
      %get3A_579 = arith.constant 736 : index
      %get3A_580 = tpu.vector_load %arg11[%get3A_578, %get3A_579] {strides = array<i32>} : memref<32x768xf32, #tpu.memory_space<vmem>>, vector<16xf32>,
      %mul3A_581 = arith.mulf %get3A_580, %gather3A_23 : vector<16xf32>
      %add3A_582 = arith.addf %mul3A_577, %mul3A_581 : vector<16xf32>
      %swap3A_583 = arith.index_cast %scan3A_22 : i32 to index
      %swap3A_584 = arith.constant 736 : index
      %swap3A_585 = tpu.vector_load %arg10[%swap3A_583, %swap3A_584] {strides = array<i32>} : memref<32x768xf32, #tpu.memory_space<vmem>>, vector<16xf32>,
      tpu.vector_store %arg10[%swap3A_583, %swap3A_584], %add3A_582 {strides = array<i32>} : memref<32x768xf32, #tpu.memory_space<vmem>>, vector<16xf32>,
      %get3A_586 = arith.index_cast %scan3A_22 : i32 to index
      %get3A_587 = arith.constant 752 : index
      %get3A_588 = tpu.vector_load %arg10[%get3A_586, %get3A_587] {strides = array<i32>} : memref<32x768xf32, #tpu.memory_space<vmem>>, vector<16xf32>,
      %mul3A_589 = arith.mulf %get3A_588, %gather3A : vector<16xf32>
      %get3A_590 = arith.index_cast %scan3A_22 : i32 to index
      %get3A_591 = arith.constant 752 : index
      %get3A_592 = tpu.vector_load %arg11[%get3A_590, %get3A_591] {strides = array<i32>} : memref<32x768xf32, #tpu.memory_space<vmem>>, vector<16xf32>,
      %mul3A_593 = arith.mulf %get3A_592, %gather3A_23 : vector<16xf32>
      %add3A_594 = arith.addf %mul3A_589, %mul3A_593 : vector<16xf32>
      %swap3A_595 = arith.index_cast %scan3A_22 : i32 to index
      %swap3A_596 = arith.constant 752 : index
      %swap3A_597 = tpu.vector_load %arg10[%swap3A_595, %swap3A_596] {strides = array<i32>} : memref<32x768xf32, #tpu.memory_space<vmem>>, vector<16xf32>,
      tpu.vector_store %arg10[%swap3A_595, %swap3A_596], %add3A_594 {strides = array<i32>} : memref<32x768xf32, #tpu.memory_space<vmem>>, vector<16xf32>,
    }
    %scan3A_21 = arith.constant 32 : i32
    "tpu.region"() ({
      %run_scoped3A = tpu.sem_alloc : memref<!tpu.dma_semaphore, #tpu.memory_space<semaphore_mem>>
      %dma_start3A_22 = arith.constant 0 : i32
      %dma_start3A_23 = tpu.memref_slice %arg5[%mul3A_2, %dma_start3A_22] : memref<1024x768xf32, #tpu.memory_space<hbm>> -> memref<32x768xf32, #tpu.memory_space<hbm>>
      %dma_start3A_24 = arith.constant 0 : i32
      %dma_start3A_25 = tpu.memref_slice %arg5[%mul3A_2, %dma_start3A_24] : memref<1024x768xf32, #tpu.memory_space<hbm>> -> memref<32x768xf32, #tpu.memory_space<hbm>>
      tpu.enqueue_dma source(%arg10 : memref<32x768xf32, #tpu.memory_space<vmem>>) target(%dma_start3A_25 : memref<32x768xf32, #tpu.memory_space<hbm>>) target_semaphore(%run_scoped3A : memref<!tpu.dma_semaphore, #tpu.memory_space<semaphore_mem>>)
      %dma_wait3A_26 = arith.constant 0 : i32
      %dma_wait3A_27 = tpu.memref_slice %arg5[%mul3A_2, %dma_wait3A_26] : memref<1024x768xf32, #tpu.memory_space<hbm>> -> memref<32x768xf32, #tpu.memory_space<hbm>>
      %dma_wait3A_28 = arith.constant 0 : i32
      %dma_wait3A_29 = tpu.memref_slice %arg5[%mul3A_2, %dma_wait3A_28] : memref<1024x768xf32, #tpu.memory_space<hbm>> -> memref<32x768xf32, #tpu.memory_space<hbm>>
      tpu.wait_dma2 semaphore(%run_scoped3A : memref<!tpu.dma_semaphore, #tpu.memory_space<semaphore_mem>>) src(%arg10 : memref<32x768xf32, #tpu.memory_space<vmem>>) dst(%dma_wait3A_29 : memref<32x768xf32, #tpu.memory_space<hbm>>)
      tpu.yield
    }) : () -> ()
    return
  }
}

#map = affine_map<(d0, d1) -> (0, 0)>
#map1 = affine_map<(d0, d1) -> (0)>
module attributes {stable_mosaic.version = 14 : i64} {
  func.func @_dispatch_body(%arg0: i32, %arg1: i32, %arg2: memref<1024x768xf32, #tpu.memory_space<hbm>>, %arg3: memref<2048xi32, #tpu.memory_space<hbm>>, %arg4: memref<5376x768xf32, #tpu.memory_space<hbm>>, %arg5: memref<64xi32, #tpu.memory_space<vmem>>, %arg6: memref<64x768xf32, #tpu.memory_space<vmem>>, %arg7: memref<!tpu.dma_semaphore, #tpu.memory_space<semaphore_mem>>) attributes {dimension_semantics = [#tpu.dimension_semantics<core_parallel>, #tpu.dimension_semantics<subcore_parallel>], iteration_bounds = array<i64: 2, 16>, scalar_prefetch = 0 : i64, scratch_operands = 3 : i64, tpu.core_type = #tpu.core_type<sc_vector_subcore>, window_params = [{transform_indices = #map}, {transform_indices = #map1}, {transform_indices = #map}]} {
    %mul3A = arith.constant 16 : i32
    %mul3A_0 = arith.muli %arg0, %mul3A : i32
    %add3A = arith.addi %mul3A_0, %arg1 : i32
    %mul3A_1 = arith.constant 64 : i32
    %mul3A_2 = arith.muli %add3A, %mul3A_1 : i32
    %multiple_of3A = tpu.assume_multiple %mul3A_2, 64 : i32
    %and3A = arith.constant 1023 : i32
    %and3A_3 = arith.andi %multiple_of3A, %and3A : i32
    %multiple_of3A_4 = tpu.assume_multiple %and3A_3, 64 : i32
    "tpu.region"() ({
      %run_scoped3A = tpu.sem_alloc : memref<!tpu.dma_semaphore, #tpu.memory_space<semaphore_mem>>
      %dma_start3A_9 = tpu.memref_slice %arg3[%multiple_of3A] : memref<2048xi32, #tpu.memory_space<hbm>> -> memref<64xi32, #tpu.memory_space<hbm>>
      %dma_start3A_10 = tpu.memref_slice %arg3[%multiple_of3A] : memref<2048xi32, #tpu.memory_space<hbm>> -> memref<64xi32, #tpu.memory_space<hbm>>
      tpu.enqueue_dma source(%dma_start3A_10 : memref<64xi32, #tpu.memory_space<hbm>>) target(%arg5 : memref<64xi32, #tpu.memory_space<vmem>>) target_semaphore(%run_scoped3A : memref<!tpu.dma_semaphore, #tpu.memory_space<semaphore_mem>>)
      %dma_wait3A_11 = tpu.memref_slice %arg3[%multiple_of3A] : memref<2048xi32, #tpu.memory_space<hbm>> -> memref<64xi32, #tpu.memory_space<hbm>>
      %dma_wait3A_12 = tpu.memref_slice %arg3[%multiple_of3A] : memref<2048xi32, #tpu.memory_space<hbm>> -> memref<64xi32, #tpu.memory_space<hbm>>
      tpu.wait_dma2 semaphore(%run_scoped3A : memref<!tpu.dma_semaphore, #tpu.memory_space<semaphore_mem>>) src(%dma_wait3A_12 : memref<64xi32, #tpu.memory_space<hbm>>) dst(%arg5 : memref<64xi32, #tpu.memory_space<vmem>>)
      tpu.yield
    }) : () -> ()
    "tpu.region"() ({
      %run_scoped3A = tpu.sem_alloc : memref<!tpu.dma_semaphore, #tpu.memory_space<semaphore_mem>>
      %dma_start3A_9 = arith.constant 0 : i32
      %dma_start3A_10 = tpu.memref_slice %arg2[%multiple_of3A_4, %dma_start3A_9] : memref<1024x768xf32, #tpu.memory_space<hbm>> -> memref<64x768xf32, #tpu.memory_space<hbm>>
      %dma_start3A_11 = arith.constant 0 : i32
      %dma_start3A_12 = tpu.memref_slice %arg2[%multiple_of3A_4, %dma_start3A_11] : memref<1024x768xf32, #tpu.memory_space<hbm>> -> memref<64x768xf32, #tpu.memory_space<hbm>>
      tpu.enqueue_dma source(%dma_start3A_12 : memref<64x768xf32, #tpu.memory_space<hbm>>) target(%arg6 : memref<64x768xf32, #tpu.memory_space<vmem>>) target_semaphore(%run_scoped3A : memref<!tpu.dma_semaphore, #tpu.memory_space<semaphore_mem>>)
      %dma_wait3A_13 = arith.constant 0 : i32
      %dma_wait3A_14 = tpu.memref_slice %arg2[%multiple_of3A_4, %dma_wait3A_13] : memref<1024x768xf32, #tpu.memory_space<hbm>> -> memref<64x768xf32, #tpu.memory_space<hbm>>
      %dma_wait3A_15 = arith.constant 0 : i32
      %dma_wait3A_16 = tpu.memref_slice %arg2[%multiple_of3A_4, %dma_wait3A_15] : memref<1024x768xf32, #tpu.memory_space<hbm>> -> memref<64x768xf32, #tpu.memory_space<hbm>>
      tpu.wait_dma2 semaphore(%run_scoped3A : memref<!tpu.dma_semaphore, #tpu.memory_space<semaphore_mem>>) src(%dma_wait3A_16 : memref<64x768xf32, #tpu.memory_space<hbm>>) dst(%arg6 : memref<64x768xf32, #tpu.memory_space<vmem>>)
      tpu.yield
    }) : () -> ()
    %dma_start3A = arith.constant 0 : i32
    %dma_start3A_5 = arith.constant 0 : i32
    %dma_start3A_6 = tpu.memref_slice %arg4[%dma_start3A, %dma_start3A_5] : memref<5376x768xf32, #tpu.memory_space<hbm>> -> memref<5376x768xf32, #tpu.memory_space<hbm>>
    tpu.enqueue_indirect_dma source(%arg6 : memref<64x768xf32, #tpu.memory_space<vmem>>) target(%dma_start3A_6 : memref<5376x768xf32, #tpu.memory_space<hbm>>) offsets(%arg5 : memref<64xi32, #tpu.memory_space<vmem>>) semaphore(%arg7 : memref<!tpu.dma_semaphore, #tpu.memory_space<semaphore_mem>>)
    %dma_wait3A = arith.constant 0 : i32
    %dma_wait3A_7 = arith.constant 0 : i32
    %dma_wait3A_8 = tpu.memref_slice %arg4[%dma_wait3A, %dma_wait3A_7] : memref<5376x768xf32, #tpu.memory_space<hbm>> -> memref<5376x768xf32, #tpu.memory_space<hbm>>
    tpu.wait_indirect_dma semaphore(%arg7 : memref<!tpu.dma_semaphore, #tpu.memory_space<semaphore_mem>>) src(%arg6 : memref<64x768xf32, #tpu.memory_space<vmem>>) dst(%dma_wait3A_8 : memref<5376x768xf32, #tpu.memory_space<hbm>>)
    return
  }
}

module attributes {stable_mosaic.version = 14 : i64} {
  func.func @_mlp_body(%arg0: i32, %arg1: memref<14xi32, #tpu.memory_space<smem>>, %arg2: memref<14xi32, #tpu.memory_space<smem>>, %arg3: memref<384x768xf32, #tpu.memory_space<vmem>>, %arg4: memref<1x1536x768xf32, #tpu.memory_space<vmem>>, %arg5: memref<1x1x1536xf32, #tpu.memory_space<vmem>>, %arg6: memref<1x768x1536xf32, #tpu.memory_space<vmem>>, %arg7: memref<1x1x768xf32, #tpu.memory_space<vmem>>, %arg8: memref<1x1536x768xf32, #tpu.memory_space<vmem>>, %arg9: memref<1x1x1536xf32, #tpu.memory_space<vmem>>, %arg10: memref<384x768xf32, #tpu.memory_space<vmem>>) attributes {dimension_semantics = [#tpu.dimension_semantics<arbitrary>], iteration_bounds = array<i64: 14>, scalar_prefetch = 2 : i64, scratch_operands = 0 : i64, tpu.core_type = #tpu.core_type<tc>, window_params = [{transform_indices = @transform_0, window_bounds = array<i64: 384, 768>}, {transform_indices = @transform_1, window_bounds = array<i64: 1, 1536, 768>}, {transform_indices = @transform_2, window_bounds = array<i64: 1, 1, 1536>}, {transform_indices = @transform_3, window_bounds = array<i64: 1, 768, 1536>}, {transform_indices = @transform_4, window_bounds = array<i64: 1, 1, 768>}, {transform_indices = @transform_5, window_bounds = array<i64: 1, 1536, 768>}, {transform_indices = @transform_6, window_bounds = array<i64: 1, 1, 1536>}, {transform_indices = @transform_7, window_bounds = array<i64: 384, 768>}]} {
    %get3A = arith.index_cast %arg0 : i32 to index
    %get3A_0 = memref.load %arg2[%get3A] : memref<14xi32, #tpu.memory_space<smem>>
    %eq3A = arith.constant 1 : i32
    %eq3A_1 = arith.cmpi eq, %get3A_0, %eq3A : i32
    %convert_element_type3A = arith.extui %eq3A_1 : i1 to i32
    %cond3A = arith.constant 0 : i32
    %cond3A_2 = arith.cmpi ne, %convert_element_type3A, %cond3A : i32
    scf.if %cond3A_2 {
      %get3A_3 = arith.constant 0 : index
      %get3A_4 = arith.constant 0 : index
      %get3A_5 = vector.load %arg3[%get3A_3, %get3A_4] : memref<384x768xf32, #tpu.memory_space<vmem>>, vector<384x768xf32>
      %get3A_6 = arith.constant 0 : index
      %get3A_7 = arith.constant 0 : index
      %get3A_8 = arith.constant 0 : index
      %get3A_9 = vector.load %arg4[%get3A_6, %get3A_7, %get3A_8] : memref<1x1536x768xf32, #tpu.memory_space<vmem>>, vector<1x1536x768xf32>
      %get3A_10 = vector.shape_cast %get3A_9 : vector<1x1536x768xf32> to vector<1536x768xf32>
      %dot_general3A = arith.constant dense<0.000000e+00> : vector<384x1536xf32>
      %dot_general3A_11 = tpu.matmul %get3A_5, %get3A_10, %dot_general3A {dimension_numbers = #tpu.dot_dimension_numbers<[1], [1], [0], [0], [0, 0, 1, 0], [], []>, transpose_lhs_hint = false} : vector<384x768xf32>, vector<1536x768xf32>, vector<384x1536xf32> -> vector<384x1536xf32>
      %get3A_12 = arith.constant 0 : index
      %get3A_13 = arith.constant 0 : index
      %get3A_14 = arith.constant 0 : index
      %get3A_15 = vector.load %arg5[%get3A_12, %get3A_13, %get3A_14] : memref<1x1x1536xf32, #tpu.memory_space<vmem>>, vector<1x1x1536xf32>
      %get3A_16 = vector.shape_cast %get3A_15 : vector<1x1x1536xf32> to vector<1x1536xf32>
      %add3A = vector.broadcast %get3A_16 : vector<1x1536xf32> to vector<384x1536xf32>
      %add3A_17 = arith.addf %dot_general3A_11, %add3A : vector<384x1536xf32>
      %get3A_18 = arith.constant 0 : index
      %get3A_19 = arith.constant 0 : index
      %get3A_20 = arith.constant 0 : index
      %get3A_21 = vector.load %arg8[%get3A_18, %get3A_19, %get3A_20] : memref<1x1536x768xf32, #tpu.memory_space<vmem>>, vector<1x1536x768xf32>
      %get3A_22 = vector.shape_cast %get3A_21 : vector<1x1536x768xf32> to vector<1536x768xf32>
      %dot_general3A_23 = arith.constant dense<0.000000e+00> : vector<384x1536xf32>
      %dot_general3A_24 = tpu.matmul %get3A_5, %get3A_22, %dot_general3A_23 {dimension_numbers = #tpu.dot_dimension_numbers<[1], [1], [0], [0], [0, 0, 1, 0], [], []>, transpose_lhs_hint = false} : vector<384x768xf32>, vector<1536x768xf32>, vector<384x1536xf32> -> vector<384x1536xf32>
      %get3A_25 = arith.constant 0 : index
      %get3A_26 = arith.constant 0 : index
      %get3A_27 = arith.constant 0 : index
      %get3A_28 = vector.load %arg9[%get3A_25, %get3A_26, %get3A_27] : memref<1x1x1536xf32, #tpu.memory_space<vmem>>, vector<1x1x1536xf32>
      %get3A_29 = vector.shape_cast %get3A_28 : vector<1x1x1536xf32> to vector<1x1536xf32>
      %add3A_30 = vector.broadcast %get3A_29 : vector<1x1536xf32> to vector<384x1536xf32>
      %add3A_31 = arith.addf %dot_general3A_24, %add3A_30 : vector<384x1536xf32>
      %neg3A = arith.constant 0.000000e+00 : f32
      %neg3A_32 = vector.broadcast %neg3A : f32 to vector<384x1536xf32>
      %neg3A_33 = arith.subf %neg3A_32, %add3A_17 : vector<384x1536xf32>
      %exp3A = math.exp %neg3A_33 : vector<384x1536xf32>
      %add3A_34 = arith.constant 1.000000e+00 : f32
      %add3A_35 = vector.broadcast %add3A_34 : f32 to vector<384x1536xf32>
      %add3A_36 = arith.addf %add3A_35, %exp3A : vector<384x1536xf32>
      %div3A = arith.constant 1.000000e+00 : f32
      %div3A_37 = vector.broadcast %div3A : f32 to vector<384x1536xf32>
      %div3A_38 = arith.divf %div3A_37, %add3A_36 : vector<384x1536xf32>
      %mul3A = arith.mulf %add3A_17, %div3A_38 : vector<384x1536xf32>
      %mul3A_39 = arith.mulf %mul3A, %add3A_31 : vector<384x1536xf32>
      %get3A_40 = arith.constant 0 : index
      %get3A_41 = arith.constant 0 : index
      %get3A_42 = arith.constant 0 : index
      %get3A_43 = vector.load %arg6[%get3A_40, %get3A_41, %get3A_42] : memref<1x768x1536xf32, #tpu.memory_space<vmem>>, vector<1x768x1536xf32>
      %get3A_44 = vector.shape_cast %get3A_43 : vector<1x768x1536xf32> to vector<768x1536xf32>
      %dot_general3A_45 = arith.constant dense<0.000000e+00> : vector<384x768xf32>
      %dot_general3A_46 = tpu.matmul %mul3A_39, %get3A_44, %dot_general3A_45 {dimension_numbers = #tpu.dot_dimension_numbers<[1], [1], [0], [0], [0, 0, 1, 0], [], []>, transpose_lhs_hint = false} : vector<384x1536xf32>, vector<768x1536xf32>, vector<384x768xf32> -> vector<384x768xf32>
      %get3A_47 = arith.constant 0 : index
      %get3A_48 = arith.constant 0 : index
      %get3A_49 = arith.constant 0 : index
      %get3A_50 = vector.load %arg7[%get3A_47, %get3A_48, %get3A_49] : memref<1x1x768xf32, #tpu.memory_space<vmem>>, vector<1x1x768xf32>
      %get3A_51 = vector.shape_cast %get3A_50 : vector<1x1x768xf32> to vector<1x768xf32>
      %add3A_52 = vector.broadcast %get3A_51 : vector<1x768xf32> to vector<384x768xf32>
      %add3A_53 = arith.addf %dot_general3A_46, %add3A_52 : vector<384x768xf32>
      %swap3A = arith.constant 0 : index
      %swap3A_54 = arith.constant 0 : index
      %swap3A_55 = vector.load %arg10[%swap3A, %swap3A_54] : memref<384x768xf32, #tpu.memory_space<vmem>>, vector<384x768xf32>
      tpu.vector_store %arg10[%swap3A, %swap3A_54], %add3A_53 {strides = array<i32>} : memref<384x768xf32, #tpu.memory_space<vmem>>, vector<384x768xf32>,
    } else {
    }
    return
  }
  func.func @transform_0(%arg0: i32, %arg1: memref<14xi32, #tpu.memory_space<smem>>, %arg2: memref<14xi32, #tpu.memory_space<smem>>) -> (i32, i32) {
    %get3A = arith.index_cast %arg0 : i32 to index
    %get3A_0 = memref.load %arg2[%get3A] : memref<14xi32, #tpu.memory_space<smem>>
    %eq3A = arith.constant 1 : i32
    %eq3A_1 = arith.cmpi eq, %get3A_0, %eq3A : i32
    %jit3A = arith.constant 0 : i32
    %select_n3A = arith.select %eq3A_1, %arg0, %jit3A : i32
    %c0_i32 = arith.constant 0 : i32
    %c0_i32_2 = arith.constant 0 : i32
    return %select_n3A, %c0_i32 : i32, i32
  }
  func.func @transform_1(%arg0: i32, %arg1: memref<14xi32, #tpu.memory_space<smem>>, %arg2: memref<14xi32, #tpu.memory_space<smem>>) -> (i32, i32, i32) {
    %get3A = arith.index_cast %arg0 : i32 to index
    %get3A_0 = memref.load %arg1[%get3A] : memref<14xi32, #tpu.memory_space<smem>>
    %c0_i32 = arith.constant 0 : i32
    %c0_i32_1 = arith.constant 0 : i32
    %c0_i32_2 = arith.constant 0 : i32
    return %get3A_0, %c0_i32, %c0_i32_1 : i32, i32, i32
  }
  func.func @transform_2(%arg0: i32, %arg1: memref<14xi32, #tpu.memory_space<smem>>, %arg2: memref<14xi32, #tpu.memory_space<smem>>) -> (i32, i32, i32) {
    %get3A = arith.index_cast %arg0 : i32 to index
    %get3A_0 = memref.load %arg1[%get3A] : memref<14xi32, #tpu.memory_space<smem>>
    %c0_i32 = arith.constant 0 : i32
    %c0_i32_1 = arith.constant 0 : i32
    %c0_i32_2 = arith.constant 0 : i32
    return %get3A_0, %c0_i32, %c0_i32_1 : i32, i32, i32
  }
  func.func @transform_3(%arg0: i32, %arg1: memref<14xi32, #tpu.memory_space<smem>>, %arg2: memref<14xi32, #tpu.memory_space<smem>>) -> (i32, i32, i32) {
    %get3A = arith.index_cast %arg0 : i32 to index
    %get3A_0 = memref.load %arg1[%get3A] : memref<14xi32, #tpu.memory_space<smem>>
    %c0_i32 = arith.constant 0 : i32
    %c0_i32_1 = arith.constant 0 : i32
    %c0_i32_2 = arith.constant 0 : i32
    return %get3A_0, %c0_i32, %c0_i32_1 : i32, i32, i32
  }
  func.func @transform_4(%arg0: i32, %arg1: memref<14xi32, #tpu.memory_space<smem>>, %arg2: memref<14xi32, #tpu.memory_space<smem>>) -> (i32, i32, i32) {
    %get3A = arith.index_cast %arg0 : i32 to index
    %get3A_0 = memref.load %arg1[%get3A] : memref<14xi32, #tpu.memory_space<smem>>
    %c0_i32 = arith.constant 0 : i32
    %c0_i32_1 = arith.constant 0 : i32
    %c0_i32_2 = arith.constant 0 : i32
    return %get3A_0, %c0_i32, %c0_i32_1 : i32, i32, i32
  }
  func.func @transform_5(%arg0: i32, %arg1: memref<14xi32, #tpu.memory_space<smem>>, %arg2: memref<14xi32, #tpu.memory_space<smem>>) -> (i32, i32, i32) {
    %get3A = arith.index_cast %arg0 : i32 to index
    %get3A_0 = memref.load %arg1[%get3A] : memref<14xi32, #tpu.memory_space<smem>>
    %c0_i32 = arith.constant 0 : i32
    %c0_i32_1 = arith.constant 0 : i32
    %c0_i32_2 = arith.constant 0 : i32
    return %get3A_0, %c0_i32, %c0_i32_1 : i32, i32, i32
  }
  func.func @transform_6(%arg0: i32, %arg1: memref<14xi32, #tpu.memory_space<smem>>, %arg2: memref<14xi32, #tpu.memory_space<smem>>) -> (i32, i32, i32) {
    %get3A = arith.index_cast %arg0 : i32 to index
    %get3A_0 = memref.load %arg1[%get3A] : memref<14xi32, #tpu.memory_space<smem>>
    %c0_i32 = arith.constant 0 : i32
    %c0_i32_1 = arith.constant 0 : i32
    %c0_i32_2 = arith.constant 0 : i32
    return %get3A_0, %c0_i32, %c0_i32_1 : i32, i32, i32
  }
  func.func @transform_7(%arg0: i32, %arg1: memref<14xi32, #tpu.memory_space<smem>>, %arg2: memref<14xi32, #tpu.memory_space<smem>>) -> (i32, i32) {
    %get3A = arith.index_cast %arg0 : i32 to index
    %get3A_0 = memref.load %arg2[%get3A] : memref<14xi32, #tpu.memory_space<smem>>
    %eq3A = arith.constant 1 : i32
    %eq3A_1 = arith.cmpi eq, %get3A_0, %eq3A : i32
    %jit3A = arith.constant 14 : i32
    %select_n3A = arith.select %eq3A_1, %arg0, %jit3A : i32
    %c0_i32 = arith.constant 0 : i32
    %c0_i32_2 = arith.constant 0 : i32
    return %select_n3A, %c0_i32 : i32, i32
  }
}

module attributes {stable_mosaic.version = 14 : i64} {
  func.func @_router_body(%arg0: memref<1024x768xf32, #tpu.memory_space<vmem>>, %arg1: memref<8x768xf32, #tpu.memory_space<vmem>>, %arg2: memref<1x8xf32, #tpu.memory_space<vmem>>, %arg3: memref<1x2048xi32, #tpu.memory_space<vmem>>, %arg4: memref<1x2048xf32, #tpu.memory_space<vmem>>, %arg5: memref<14x1xi32, #tpu.memory_space<vmem>>, %arg6: memref<14x1xi32, #tpu.memory_space<vmem>>) attributes {dimension_semantics = [], scalar_prefetch = 0 : i64, scratch_operands = 0 : i64, tpu.core_type = #tpu.core_type<tc>} {
    %get3A = arith.constant 0 : index
    %get3A_0 = arith.constant 0 : index
    %get3A_1 = vector.load %arg0[%get3A, %get3A_0] : memref<1024x768xf32, #tpu.memory_space<vmem>>, vector<1024x768xf32>
    %get3A_2 = arith.constant 0 : index
    %get3A_3 = arith.constant 0 : index
    %get3A_4 = vector.load %arg1[%get3A_2, %get3A_3] : memref<8x768xf32, #tpu.memory_space<vmem>>, vector<8x768xf32>
    %dot_general3A = arith.constant dense<0.000000e+00> : vector<1024x8xf32>
    %dot_general3A_5 = tpu.matmul %get3A_1, %get3A_4, %dot_general3A {dimension_numbers = #tpu.dot_dimension_numbers<[1], [1], [0], [0], [0, 0, 1, 0], [], []>, transpose_lhs_hint = false} : vector<1024x768xf32>, vector<8x768xf32>, vector<1024x8xf32> -> vector<1024x8xf32>
    %get3A_6 = arith.constant 0 : index
    %get3A_7 = arith.constant 0 : index
    %get3A_8 = vector.load %arg2[%get3A_6, %get3A_7] : memref<1x8xf32, #tpu.memory_space<vmem>>, vector<1x8xf32>
    %add3A = vector.broadcast %get3A_8 : vector<1x8xf32> to vector<1024x8xf32>
    %add3A_9 = arith.addf %dot_general3A_5, %add3A : vector<1024x8xf32>
    %iota3A = tpu.iota {dimensions = array<i32: 1>} : vector<1024x8xi32>
    %reduce_max3A = arith.constant dense<0xFF800000> : vector<1024xf32>
    %reduce_max3A_10 = vector.multi_reduction <maximumf>, %add3A_9, %reduce_max3A [1] : vector<1024x8xf32> to vector<1024xf32>
    %broadcast_in_dim3A = vector.shape_cast %reduce_max3A_10 : vector<1024xf32> to vector<1024x1xf32>
    %eq3A = vector.broadcast %broadcast_in_dim3A : vector<1024x1xf32> to vector<1024x8xf32>
    %eq3A_11 = arith.cmpf oeq, %add3A_9, %eq3A : vector<1024x8xf32>
    %jit3A = arith.constant 8 : i32
    %broadcast_in_dim3A_12 = vector.broadcast %jit3A : i32 to vector<1024x8xi32>
    %select_n3A = arith.select %eq3A_11, %iota3A, %broadcast_in_dim3A_12 : vector<1024x8xi1>, vector<1024x8xi32>
    %reduce_min3A = arith.constant dense<2147483647> : vector<1024xi32>
    %reduce_min3A_13 = vector.multi_reduction <minsi>, %select_n3A, %reduce_min3A [1] : vector<1024x8xi32> to vector<1024xi32>
    %broadcast_in_dim3A_14 = vector.shape_cast %reduce_min3A_13 : vector<1024xi32> to vector<1024x1xi32>
    %eq3A_15 = vector.broadcast %broadcast_in_dim3A_14 : vector<1024x1xi32> to vector<1024x8xi32>
    %eq3A_16 = arith.cmpi eq, %iota3A, %eq3A_15 : vector<1024x8xi32>
    %jit3A_17 = arith.constant -1.000000e+30 : f32
    %broadcast_in_dim3A_18 = vector.broadcast %jit3A_17 : f32 to vector<1024x8xf32>
    %select_n3A_19 = arith.select %eq3A_16, %broadcast_in_dim3A_18, %add3A_9 : vector<1024x8xi1>, vector<1024x8xf32>
    %reduce_max3A_20 = arith.constant dense<0xFF800000> : vector<1024xf32>
    %reduce_max3A_21 = vector.multi_reduction <maximumf>, %select_n3A_19, %reduce_max3A_20 [1] : vector<1024x8xf32> to vector<1024xf32>
    %broadcast_in_dim3A_22 = vector.shape_cast %reduce_max3A_21 : vector<1024xf32> to vector<1024x1xf32>
    %eq3A_23 = vector.broadcast %broadcast_in_dim3A_22 : vector<1024x1xf32> to vector<1024x8xf32>
    %eq3A_24 = arith.cmpf oeq, %select_n3A_19, %eq3A_23 : vector<1024x8xf32>
    %jit3A_25 = arith.constant 8 : i32
    %broadcast_in_dim3A_26 = vector.broadcast %jit3A_25 : i32 to vector<1024x8xi32>
    %select_n3A_27 = arith.select %eq3A_24, %iota3A, %broadcast_in_dim3A_26 : vector<1024x8xi1>, vector<1024x8xi32>
    %reduce_min3A_28 = arith.constant dense<2147483647> : vector<1024xi32>
    %reduce_min3A_29 = vector.multi_reduction <minsi>, %select_n3A_27, %reduce_min3A_28 [1] : vector<1024x8xi32> to vector<1024xi32>
    %broadcast_in_dim3A_30 = vector.shape_cast %reduce_min3A_29 : vector<1024xi32> to vector<1024x1xi32>
    %sub3A = arith.subf %broadcast_in_dim3A_22, %broadcast_in_dim3A : vector<1024x1xf32>
    %exp3A = math.exp %sub3A : vector<1024x1xf32>
    %add3A_31 = arith.constant 1.000000e+00 : f32
    %add3A_32 = vector.broadcast %add3A_31 : f32 to vector<1024x1xf32>
    %add3A_33 = arith.addf %add3A_32, %exp3A : vector<1024x1xf32>
    %div3A = arith.constant 1.000000e+00 : f32
    %div3A_34 = vector.broadcast %div3A : f32 to vector<1024x1xf32>
    %div3A_35 = arith.divf %div3A_34, %add3A_33 : vector<1024x1xf32>
    %sub3A_36 = arith.constant 1.000000e+00 : f32
    %sub3A_37 = vector.broadcast %sub3A_36 : f32 to vector<1024x1xf32>
    %sub3A_38 = arith.subf %sub3A_37, %div3A_35 : vector<1024x1xf32>
    %concatenate3A = tpu.concatenate %broadcast_in_dim3A_14, %broadcast_in_dim3A_30 in 0 : vector<1024x1xi32>, vector<1024x1xi32> -> vector<2048x1xi32>
    %concatenate3A_39 = tpu.concatenate %div3A_35, %sub3A_38 in 0 : vector<1024x1xf32>, vector<1024x1xf32> -> vector<2048x1xf32>
    %iota3A_40 = tpu.iota {dimensions = array<i32: 1>} : vector<2048x8xi32>
    %eq3A_41 = vector.broadcast %concatenate3A : vector<2048x1xi32> to vector<2048x8xi32>
    %eq3A_42 = arith.cmpi eq, %eq3A_41, %iota3A_40 : vector<2048x8xi32>
    %jit3A_43 = arith.constant 1.000000e+00 : f32
    %jit3A_44 = arith.constant 0.000000e+00 : f32
    %broadcast_in_dim3A_45 = vector.broadcast %jit3A_43 : f32 to vector<2048x8xf32>
    %broadcast_in_dim3A_46 = vector.broadcast %jit3A_44 : f32 to vector<2048x8xf32>
    %select_n3A_47 = arith.select %eq3A_42, %broadcast_in_dim3A_45, %broadcast_in_dim3A_46 : vector<2048x8xi1>, vector<2048x8xf32>
    %iota3A_48 = tpu.iota {dimensions = array<i32: 0>} : vector<2048x2048xi32>
    %iota3A_49 = tpu.iota {dimensions = array<i32: 1>} : vector<2048x2048xi32>
    %gt3A = arith.cmpi sgt, %iota3A_48, %iota3A_49 : vector<2048x2048xi32>
    %jit3A_50 = arith.constant 1.000000e+00 : f32
    %jit3A_51 = arith.constant 0.000000e+00 : f32
    %broadcast_in_dim3A_52 = vector.broadcast %jit3A_50 : f32 to vector<2048x2048xf32>
    %broadcast_in_dim3A_53 = vector.broadcast %jit3A_51 : f32 to vector<2048x2048xf32>
    %select_n3A_54 = arith.select %gt3A, %broadcast_in_dim3A_52, %broadcast_in_dim3A_53 : vector<2048x2048xi1>, vector<2048x2048xf32>
    %convert_element_type3A = arith.truncf %select_n3A_54 : vector<2048x2048xf32> to vector<2048x2048xbf16>
    %convert_element_type3A_55 = arith.truncf %select_n3A_47 : vector<2048x8xf32> to vector<2048x8xbf16>
    %dot_general3A_56 = arith.constant dense<0.000000e+00> : vector<2048x8xf32>
    %dot_general3A_57 = tpu.matmul %convert_element_type3A, %convert_element_type3A_55, %dot_general3A_56 {dimension_numbers = #tpu.dot_dimension_numbers<[1], [0], [0], [1], [0, 0, 1, 1], [], []>, transpose_lhs_hint = false} : vector<2048x2048xbf16>, vector<2048x8xbf16>, vector<2048x8xf32> -> vector<2048x8xf32>
    %mul3A = arith.mulf %dot_general3A_57, %select_n3A_47 : vector<2048x8xf32>
    %reduce_sum3A = arith.constant dense<0.000000e+00> : vector<2048xf32>
    %reduce_sum3A_58 = vector.multi_reduction <add>, %mul3A, %reduce_sum3A [1] : vector<2048x8xf32> to vector<2048xf32>
    %broadcast_in_dim3A_59 = vector.shape_cast %reduce_sum3A_58 : vector<2048xf32> to vector<2048x1xf32>
    %reduce_sum3A_60 = arith.constant dense<0.000000e+00> : vector<8xf32>
    %reduce_sum3A_61 = vector.multi_reduction <add>, %select_n3A_47, %reduce_sum3A_60 [0] : vector<2048x8xf32> to vector<8xf32>
    %broadcast_in_dim3A_62 = vector.shape_cast %reduce_sum3A_61 : vector<8xf32> to vector<1x8xf32>
    %convert_element_type3A_63 = arith.fptosi %broadcast_in_dim3A_62 : vector<1x8xf32> to vector<1x8xi32>
    %add3A_64 = arith.constant 383 : i32
    %add3A_65 = vector.broadcast %add3A_64 : i32 to vector<1x8xi32>
    %add3A_66 = arith.addi %convert_element_type3A_63, %add3A_65 : vector<1x8xi32>
    %jit3A_67 = arith.constant 384 : i32
    %div3A_68 = vector.broadcast %jit3A_67 : i32 to vector<1x8xi32>
    %div3A_69 = arith.divsi %add3A_66, %div3A_68 : vector<1x8xi32>
    %sign3A = arith.constant 0 : i32
    %sign3A_70 = vector.broadcast %sign3A : i32 to vector<1x8xi32>
    %sign3A_71 = arith.cmpi sgt, %add3A_66, %sign3A_70 : vector<1x8xi32>
    %sign3A_72 = arith.extui %sign3A_71 : vector<1x8xi1> to vector<1x8xi32>
    %sign3A_73 = arith.constant 0 : i32
    %sign3A_74 = vector.broadcast %sign3A_73 : i32 to vector<1x8xi32>
    %sign3A_75 = arith.cmpi slt, %add3A_66, %sign3A_74 : vector<1x8xi32>
    %sign3A_76 = arith.extui %sign3A_75 : vector<1x8xi1> to vector<1x8xi32>
    %sign3A_77 = arith.subi %sign3A_72, %sign3A_76 : vector<1x8xi32>
    %sign3A_78 = arith.constant 0 : i32
    %sign3A_79 = arith.cmpi sgt, %jit3A_67, %sign3A_78 : i32
    %sign3A_80 = arith.extui %sign3A_79 : i1 to i32
    %sign3A_81 = arith.constant 0 : i32
    %sign3A_82 = arith.cmpi slt, %jit3A_67, %sign3A_81 : i32
    %sign3A_83 = arith.extui %sign3A_82 : i1 to i32
    %sign3A_84 = arith.subi %sign3A_80, %sign3A_83 : i32
    %ne3A = vector.broadcast %sign3A_84 : i32 to vector<1x8xi32>
    %ne3A_85 = arith.cmpi ne, %sign3A_77, %ne3A : vector<1x8xi32>
    %rem3A = vector.broadcast %jit3A_67 : i32 to vector<1x8xi32>
    %rem3A_86 = arith.remsi %add3A_66, %rem3A : vector<1x8xi32>
    %ne3A_87 = arith.constant 0 : i32
    %ne3A_88 = vector.broadcast %ne3A_87 : i32 to vector<1x8xi32>
    %ne3A_89 = arith.cmpi ne, %rem3A_86, %ne3A_88 : vector<1x8xi32>
    %and3A = arith.andi %ne3A_85, %ne3A_89 : vector<1x8xi1>
    %sub3A_90 = arith.constant 1 : i32
    %sub3A_91 = vector.broadcast %sub3A_90 : i32 to vector<1x8xi32>
    %sub3A_92 = arith.subi %div3A_69, %sub3A_91 : vector<1x8xi32>
    %select_n3A_93 = arith.select %and3A, %sub3A_92, %div3A_69 : vector<1x8xi1>, vector<1x8xi32>
    %convert_element_type3A_94 = arith.sitofp %select_n3A_93 : vector<1x8xi32> to vector<1x8xf32>
    %iota3A_95 = tpu.iota {dimensions = array<i32: 0>} : vector<8x8xi32>
    %iota3A_96 = tpu.iota {dimensions = array<i32: 1>} : vector<8x8xi32>
    %le3A = arith.cmpi sle, %iota3A_95, %iota3A_96 : vector<8x8xi32>
    %jit3A_97 = arith.constant 1.000000e+00 : f32
    %jit3A_98 = arith.constant 0.000000e+00 : f32
    %broadcast_in_dim3A_99 = vector.broadcast %jit3A_97 : f32 to vector<8x8xf32>
    %broadcast_in_dim3A_100 = vector.broadcast %jit3A_98 : f32 to vector<8x8xf32>
    %select_n3A_101 = arith.select %le3A, %broadcast_in_dim3A_99, %broadcast_in_dim3A_100 : vector<8x8xi1>, vector<8x8xf32>
    %dot_general3A_102 = arith.constant dense<0.000000e+00> : vector<1x8xf32>
    %dot_general3A_103 = tpu.matmul %convert_element_type3A_94, %select_n3A_101, %dot_general3A_102 {dimension_numbers = #tpu.dot_dimension_numbers<[1], [0], [0], [1], [0, 0, 1, 1], [], []>, transpose_lhs_hint = false} : vector<1x8xf32>, vector<8x8xf32>, vector<1x8xf32> -> vector<1x8xf32>
    %sub3A_104 = arith.subf %dot_general3A_103, %convert_element_type3A_94 : vector<1x8xf32>
    %mul3A_105 = arith.constant 3.840000e+02 : f32
    %mul3A_106 = vector.broadcast %mul3A_105 : f32 to vector<1x8xf32>
    %mul3A_107 = arith.mulf %sub3A_104, %mul3A_106 : vector<1x8xf32>
    %add3A_108 = vector.broadcast %mul3A_107 : vector<1x8xf32> to vector<2048x8xf32>
    %add3A_109 = vector.broadcast %broadcast_in_dim3A_59 : vector<2048x1xf32> to vector<2048x8xf32>
    %add3A_110 = arith.addf %add3A_108, %add3A_109 : vector<2048x8xf32>
    %mul3A_111 = arith.mulf %select_n3A_47, %add3A_110 : vector<2048x8xf32>
    %reduce_sum3A_112 = arith.constant dense<0.000000e+00> : vector<2048xf32>
    %reduce_sum3A_113 = vector.multi_reduction <add>, %mul3A_111, %reduce_sum3A_112 [1] : vector<2048x8xf32> to vector<2048xf32>
    %broadcast_in_dim3A_114 = vector.shape_cast %reduce_sum3A_113 : vector<2048xf32> to vector<2048x1xf32>
    %transpose3A = tpu.transpose %broadcast_in_dim3A_114, [1, 0] : vector<2048x1xf32> -> vector<1x2048xf32>
    %convert_element_type3A_115 = arith.fptosi %transpose3A : vector<1x2048xf32> to vector<1x2048xi32>
    %swap3A = arith.constant 0 : index
    %swap3A_116 = arith.constant 0 : index
    %swap3A_117 = vector.load %arg3[%swap3A, %swap3A_116] : memref<1x2048xi32, #tpu.memory_space<vmem>>, vector<1x2048xi32>
    tpu.vector_store %arg3[%swap3A, %swap3A_116], %convert_element_type3A_115 {strides = array<i32>} : memref<1x2048xi32, #tpu.memory_space<vmem>>, vector<1x2048xi32>,
    %transpose3A_118 = tpu.transpose %concatenate3A_39, [1, 0] : vector<2048x1xf32> -> vector<1x2048xf32>
    %swap3A_119 = arith.constant 0 : index
    %swap3A_120 = arith.constant 0 : index
    %swap3A_121 = vector.load %arg4[%swap3A_119, %swap3A_120] : memref<1x2048xf32, #tpu.memory_space<vmem>>, vector<1x2048xf32>
    tpu.vector_store %arg4[%swap3A_119, %swap3A_120], %transpose3A_118 {strides = array<i32>} : memref<1x2048xf32, #tpu.memory_space<vmem>>, vector<1x2048xf32>,
    %convert_element_type3A_122 = arith.fptosi %dot_general3A_103 : vector<1x8xf32> to vector<1x8xi32>
    %iota3A_123 = tpu.iota {dimensions = array<i32: 0>} : vector<14x8xi32>
    %ge3A = vector.broadcast %convert_element_type3A_122 : vector<1x8xi32> to vector<14x8xi32>
    %ge3A_124 = arith.cmpi sge, %iota3A_123, %ge3A : vector<14x8xi32>
    %convert_element_type3A_125 = arith.extui %ge3A_124 : vector<14x8xi1> to vector<14x8xi32>
    %reduce_sum3A_126 = arith.constant dense<0> : vector<14xi32>
    %reduce_sum3A_127 = vector.multi_reduction <add>, %convert_element_type3A_125, %reduce_sum3A_126 [1] : vector<14x8xi32> to vector<14xi32>
    %broadcast_in_dim3A_128 = vector.shape_cast %reduce_sum3A_127 : vector<14xi32> to vector<14x1xi32>
    %reduce_sum3A_129 = arith.constant dense<0> : vector<1xi32>
    %reduce_sum3A_130 = vector.multi_reduction <add>, %select_n3A_93, %reduce_sum3A_129 [1] : vector<1x8xi32> to vector<1xi32>
    %broadcast_in_dim3A_131 = vector.shape_cast %reduce_sum3A_130 : vector<1xi32> to vector<1x1xi32>
    %iota3A_132 = tpu.iota {dimensions = array<i32: 0>} : vector<14x1xi32>
    %lt3A = vector.broadcast %broadcast_in_dim3A_131 : vector<1x1xi32> to vector<14x1xi32>
    %lt3A_133 = arith.cmpi slt, %iota3A_132, %lt3A : vector<14x1xi32>
    %convert_element_type3A_134 = arith.extui %lt3A_133 : vector<14x1xi1> to vector<14x1xi32>
    %iota3A_135 = tpu.iota {dimensions = array<i32: 1>} : vector<1x8xi32>
    %gt3A_136 = arith.constant 0 : i32
    %gt3A_137 = vector.broadcast %gt3A_136 : i32 to vector<1x8xi32>
    %gt3A_138 = arith.cmpi sgt, %select_n3A_93, %gt3A_137 : vector<1x8xi32>
    %jit3A_139 = arith.constant 0 : i32
    %broadcast_in_dim3A_140 = vector.broadcast %jit3A_139 : i32 to vector<1x8xi32>
    %select_n3A_141 = arith.select %gt3A_138, %iota3A_135, %broadcast_in_dim3A_140 : vector<1x8xi1>, vector<1x8xi32>
    %reduce_max3A_142 = arith.constant dense<-2147483648> : vector<1xi32>
    %reduce_max3A_143 = vector.multi_reduction <maxsi>, %select_n3A_141, %reduce_max3A_142 [1] : vector<1x8xi32> to vector<1xi32>
    %broadcast_in_dim3A_144 = vector.shape_cast %reduce_max3A_143 : vector<1xi32> to vector<1x1xi32>
    %eq3A_145 = arith.constant 1 : i32
    %eq3A_146 = vector.broadcast %eq3A_145 : i32 to vector<14x1xi32>
    %eq3A_147 = arith.cmpi eq, %convert_element_type3A_134, %eq3A_146 : vector<14x1xi32>
    %broadcast_in_dim3A_148 = vector.shape_cast %broadcast_in_dim3A_144 : vector<1x1xi32> to vector<1x1xi32>
    %broadcast_in_dim3A_149 = vector.broadcast %broadcast_in_dim3A_148 : vector<1x1xi32> to vector<14x1xi32>
    %select_n3A_150 = arith.select %eq3A_147, %broadcast_in_dim3A_128, %broadcast_in_dim3A_149 : vector<14x1xi1>, vector<14x1xi32>
    %swap3A_151 = arith.constant 0 : index
    %swap3A_152 = arith.constant 0 : index
    %swap3A_153 = vector.load %arg5[%swap3A_151, %swap3A_152] : memref<14x1xi32, #tpu.memory_space<vmem>>, vector<14x1xi32>
    tpu.vector_store %arg5[%swap3A_151, %swap3A_152], %select_n3A_150 {strides = array<i32>} : memref<14x1xi32, #tpu.memory_space<vmem>>, vector<14x1xi32>,
    %swap3A_154 = arith.constant 0 : index
    %swap3A_155 = arith.constant 0 : index
    %swap3A_156 = vector.load %arg6[%swap3A_154, %swap3A_155] : memref<14x1xi32, #tpu.memory_space<vmem>>, vector<14x1xi32>
    tpu.vector_store %arg6[%swap3A_154, %swap3A_155], %convert_element_type3A_134 {strides = array<i32>} : memref<14x1xi32, #tpu.memory_space<vmem>>, vector<14x1xi32>,
    return
  }
}

</mosaic_0001>

<sc_bundles>
// kernel: kernel.6.cloned.1.call-start
scs
__scs_entry_jumppad:
0x0: {  	(pc) =	sbr.rel $0x88, $3  }
0x1: {  	(tag) =	ssettag $0x0;
	lr =	simm.s32 $0x1  }
0x2: {  	[smem:$0x3F98] =	sst lr;
	_ =	strace $0xD0000000  }
0x3: {  	_ = 	snop  }
0x4: {  	_ = 	snop  }
0x5: {  	_ = 	snop  }
0x6: {  	_ = 	snop  }
0x7: {  	_ = 	snop  }
__scs_overlays_trampoline_lowered:
0x8: {  	[smem:$0x3FA7] =	sst s0  }
0x9: {  	[smem:$0x3FA8] =	sst s1  }
0xa: {  	[smem:$0x3FA9] =	sst s2  }
0xb: {  	[smem:$0x3FAA] =	sst s3  }
0xc: {  	[smem:$0x3FAB] =	sst s4  }
0xd: {  	[smem:$0x3FAC] =	sst s5  }
0xe: {  	[smem:$0x3FAD] =	sst s6  }
0xf: {  	[smem:$0x3FAE] =	sst s7  }
0x10: {  	[smem:$0x3FAF] =	sst s8  }
0x11: {  	[smem:$0x3FB0] =	sst s9;
	s0 =	simm.s32 @!p0 $0x0  }
0x12: {  	s1 =	sld [smem:$0x3F96];
	s0 =	simm.s32 @p0 $0x1  }
0x13: {  	[smem:$0x3FB1] =	sst s0;
	s0 =	simm.s32 @!p1 $0x0  }
0x14: {  	s2 =	sld [smem:$0x3F95];
	s0 =	simm.s32 @p1 $0x1  }
0x15: {  	[smem:$0x3FB2] =	sst s0;
	s0 =	simm.s32 @!p2 $0x0  }
0x16: {  	s3 =	sld [smem:$0x3FDB];
	s0 =	simm.s32 @p2 $0x1  }
0x17: {  	s4 =	simm.s32 $0x1BF5;
	[smem:$0x3FB4] =	sst s0  }
0x18: {  	s0 =	sld [smem:$0x3F97];
	_ =	swait.ge [sflag:s4], $0x0  }
0x19: {  	s7 =	sld [smem:$0x3F98]  }
0x1a: {  	s8 =	sadd.s32 $0xFFFFE003, lr  }
0x1b: {  	s9 =	sadd.s32 $0xFFFFFEF7, lr;
	s5 =	simm.s32 $0xFFFFFFFF;
	p2 =	slt.u32 s8, $0xFFFFF086  }
0x1c: {  	p1 =	slt.u32 s9, $0xF7A;
	s5 =	simm.s32 @!p2 $0x0  }
0x1d: {  	s5 =	simm.s32 @p1 $0x1;
	p0 =	seq.s32 s7, s2  }
0x1e: {  	s7 =	smul.u32 @!p0 $0xF7A, s2;
	p2 =	seq.s32 @!p0 s5, $0x0  }
0x1f: {  	s9 =	smul.u32 $0xF7A, s1;
	s8 =	simm.s32 @!p0 $0x1BF5;
	p2 =	por !p2, p0  }
0x20: {  	[sflag:s8] =	ssyncset.s32 @!p0 $0xFFFFF086;
	s6 =	sadd.s32 @!p0 s3, s7;
	s7 =	simm.s32 @!p0 $0x108  }
0x21: {  	s3 =	sadd.s32 s3, s9;
	s6 =	sadd.s32 @!p0 $0x88, s6;
	s7 =	simm.s32 @p2 $0x1082  }
0x22: {  	[simem:s7], [sflag:s8] =	dma.local @!p0 [hbm:s6], $0xF7A  }
0x23: {  	s9 =	sor.u32 $0xD0000000, s2;
	s6 =	simm.s32 $0x108;
	_ =	swait.ge @!p0 [sflag:s8], $0x0  }
0x24: {  	s3 =	sadd.s32 $0x88, s3;
	s6 =	simm.s32 @!p1 $0x1082;
	[sflag:s4] =	ssyncset.s32 $0xFFFFF086  }
0x25: {  	[simem:s6], [sflag:s4] =	dma.local [hbm:s3], $0xF7A  }
0x26: {  	[smem:$0x3F98] =	sst s1;
	(tag) =	ssettag s2;
	_ =	strace s9  }
0x27: {  	s1 =	sld [smem:$0x3FA8]  }
0x28: {  	s2 =	sld [smem:$0x3FA9]  }
0x29: {  	s4 =	sld [smem:$0x3FAB]  }
0x2a: {  	p0 =	seq.s32 s5, $0x0;
	s5 =	sld [smem:$0x3FAC]  }
0x2b: {  	s6 =	sld [smem:$0x3FAD]  }
0x2c: {  	s7 =	sld [smem:$0x3FAE]  }
0x2d: {  	s3 =	simm.s32 $0x108;
	s8 =	sld [smem:$0x3FAF]  }
0x2e: {  	s3 =	simm.s32 @!p0 $0x1082;
	s9 =	sld [smem:$0x3FB0]  }
0x2f: {  	lr =	sadd.s32 s0, s3;
	s0 =	sld [smem:$0x3FA7]  }
0x30: {  	s3 =	sld [smem:$0x3FAA]  }
0x31: {  	[smem:$0x3FB3] =	sst s10  }
0x32: {  	s10 =	sld [smem:$0x3FB1];
	_ =	sdelay $0x3  }
0x33: {  	p0 =	seq.s32 s10, $0x1;
	s10 =	sld [smem:$0x3FB3];
	_ =	sdelay $0x3  }
0x34: {  	[smem:$0x3FB3] =	sst s10  }
0x35: {  	s10 =	sld [smem:$0x3FB2];
	_ =	sdelay $0x3  }
0x36: {  	p1 =	seq.s32 s10, $0x1;
	s10 =	sld [smem:$0x3FB3];
	_ =	sdelay $0x3  }
0x37: {  	[smem:$0x3FB3] =	sst s10  }
0x38: {  	s10 =	sld [smem:$0x3FB4]  }
0x39: {  	_ = 	snop;
	(pc) =	sbr.ind lr, $3  }
0x3a: {  	_ = 	snop  }
0x3b: {  	_ = 	snop  }
0x3c: {  	p2 =	seq.s32 s10, $0x1;
	s10 =	sld [smem:$0x3FB3]  }
0x3d: {  	_ =	shalt  }
0x3e: {  	_ =	shalt  }
0x3f: {  	_ =	shalt  }
0x40: {  	_ =	shalt  }
0x41: {  	_ =	shalt  }
0x42: {  	_ =	shalt  }
0x43: {  	_ =	shalt  }
0x44: {  	_ =	shalt  }
0x45: {  	_ =	shalt  }
0x46: {  	_ =	shalt  }
0x47: {  	_ =	shalt  }
0x48: {  	_ =	shalt  }
0x49: {  	_ =	shalt  }
0x4a: {  	_ =	shalt  }
0x4b: {  	_ =	shalt  }
0x4c: {  	_ =	shalt  }
0x4d: {  	_ =	shalt  }
0x4e: {  	_ =	shalt  }
0x4f: {  	_ =	shalt  }
0x50: {  	_ =	shalt  }
0x51: {  	_ =	shalt  }
0x52: {  	_ =	shalt  }
0x53: {  	_ =	shalt  }
0x54: {  	_ =	shalt  }
0x55: {  	_ =	shalt  }
0x56: {  	_ =	shalt  }
0x57: {  	_ =	shalt  }
0x58: {  	_ =	shalt  }
0x59: {  	_ =	shalt  }
0x5a: {  	_ =	shalt  }
0x5b: {  	_ =	shalt  }
0x5c: {  	_ =	shalt  }
0x5d: {  	_ =	shalt  }
0x5e: {  	_ =	shalt  }
0x5f: {  	_ =	shalt  }
0x60: {  	_ =	shalt  }
0x61: {  	_ =	shalt  }
0x62: {  	_ =	shalt  }
0x63: {  	_ =	shalt  }
0x64: {  	_ =	shalt  }
0x65: {  	_ =	shalt  }
0x66: {  	_ =	shalt  }
0x67: {  	_ =	shalt  }
0x68: {  	_ =	shalt  }
0x69: {  	_ =	shalt  }
0x6a: {  	_ =	shalt  }
0x6b: {  	_ =	shalt  }
0x6c: {  	_ =	shalt  }
0x6d: {  	_ =	shalt  }
0x6e: {  	_ =	shalt  }
0x6f: {  	_ =	shalt  }
0x70: {  	_ =	shalt  }
0x71: {  	_ =	shalt  }
0x72: {  	_ =	shalt  }
0x73: {  	_ =	shalt  }
0x74: {  	_ =	shalt  }
0x75: {  	_ =	shalt  }
0x76: {  	_ =	shalt  }
0x77: {  	_ =	shalt  }
0x78: {  	_ =	shalt  }
0x79: {  	_ =	shalt  }
0x7a: {  	_ =	shalt  }
0x7b: {  	_ =	shalt  }
0x7c: {  	_ =	shalt  }
0x7d: {  	_ =	shalt  }
0x7e: {  	_ =	shalt  }
0x7f: {  	_ =	shalt  }
0x80: {  	_ =	shalt  }
0x81: {  	_ =	shalt  }
0x82: {  	_ =	shalt  }
0x83: {  	_ =	shalt  }
0x84: {  	_ =	shalt  }
0x85: {  	_ =	shalt  }
0x86: {  	_ =	shalt  }
0x87: {  	_ =	shalt  }
.Lfunc_end0:
.L_simem_size_0:
called_computation_lowered:
.L_overlay_start_0:
0x88: {  	s2 =	sld [smem:$0x3FD9]  }
0x89: {  	s3 =	sld [smem:$0x3FFE];
	_ =	sdelay $0x1  }
0x8a: {  	s1 =	srdreg.scid  }
0x8b: {  	s0 =	sand.u32 $0x1, s1  }
0x8c: {  	s17 =	sshll.u32 s0, $0xA;
	s2 =	sadd.s32 s3, s2  }
0x8d: {  	s2 =	sadd.s32 s2, s17  }
0x8e: {  	[smem:$0x3FBF] =	sst s2  }
0x8f: {  	_ = 	snop  }
0x90: {  	s2 =	sld [smem:$0x3FC9];
	(tm) =	ssettm $0x1  }
0x91: {  	s18 =	sld [smem:$0x3FFB];
	_ =	sdelay $0x3  }
0x92: {  	_ =	strace s18  }
0x93: {  	s3 =	sld [smem:$0x3FFC];
	_ =	sdelay $0x3  }
0x94: {  	_ =	strace s3  }
0x95: {  	s3 =	sld [smem:$0x3FFD];
	_ =	sdelay $0x3  }
0x96: {  	_ =	strace s3  }
0x97: {  	_ =	strace $0x8FFFFFFF  }
0x98: {  	s19 =	sld [smem:$0x3FDB];
	_ =	sdelay $0x1  }
0x99: {  	s4 =	simm.s32 $_scs_section_size  }
0x9a: {  	s5 =	simm.s32 $_size__tile_overlayer_lowered;
	s6 =	simm.s32 $_tile_overlayer_lowered  }
0x9b: {  	s22 =	simm.s32 $0x1BFF;
	s21 =	sshll.u32 s6, $0x1;
	s3 =	sadd.s32 s4, s19  }
0x9c: {  	s7 =	simm.s32 $0x0;
	s20 =	sshll.u32 s5, $0x1;
	s5 =	sadd.s32 s21, s3  }
0x9d: {  	[timem:s7], [sflag:s22] =	dma.local [hbm:s5], s20  }
0x9e: {  	_ =	swait.ge [sflag:s22], s20  }
0x9f: {  	s4 =	ssub.s32 $0x0, s20;
	[sflag:s22] =	ssyncset.done $0x0  }
0xa0: {  	[sflag:s22] =	ssyncadd.s32 s4;
	_ =	sdelay $0x1  }
0xa1: {  	s23 =	simm.s32 $0x1B8B  }
0xa2: {  	_ =	swait.ge [sflag:s23], $0x1  }
0xa3: {  	[sflag:s23] =	ssyncset.done $0x0  }
0xa4: {  	s25 =	simm.s32 $0x1B8E;
	s24 =	sld [smem:$0x3FFE];
	[sflag:s23] =	ssyncadd.s32 $0xFFFFFFFF  }
0xa5: {  	s26 =	simm.s32 $execute0_lowered;
	[smem:$0x3FD2] =	sst s25  }
0xa6: {  	s5 =	sshll.u32 s26, $0x1;
	_ =	strace $0x80000046;
	[dreg:$0x1] =	wrdreg $0xFFFFFFFF  }
0xa7: {  	s28 =	simm.s32 $_size_execute0_lowered;
	s3 =	sadd.s32 s3, s5;
	[dreg:$0x0] =	wrdreg $0x0  }
0xa8: {  	s5 =	sshll.u32 s28, $0x1;
	[dreg:$0x2] =	wrdreg s3  }
0xa9: {  	[dreg:$0x3] =	wrdreg s5  }
0xaa: {  	[dreg:$0x4] =	wrdreg $0xC0  }
0xab: {  	_ =	task [dreg:s7], $0x5FFFF  }
0xac: {  	[dreg:$0x1] =	wrdreg $0xFFFFFFFF  }
0xad: {  	[dreg:$0x0] =	wrdreg $0x60  }
0xae: {  	[dreg:$0x2] =	wrdreg s2  }
0xaf: {  	[dreg:$0x3] =	wrdreg s24  }
0xb0: {  	[dreg:$0x4] =	wrdreg $0x9  }
0xb1: {  	_ =	task.clear_ibuf [dreg:s7], $0x5FFFF;
	_ =	strace $0x90000046  }
0xb2: {  	s29 =	simm.s32 $0x9;
	_ =	strace $0x80000048  }
0xb3: {  	_ =	swait.ge [sflag:s29], $0x1  }
0xb4: {  	[sflag:s29] =	ssyncadd.s32 $0xFFFFFFFF  }
0xb5: {  	_ =	strace $0x90000048  }
0xb6: {  	_ =	sfence  }
0xb7: {  	s30 =	sld [smem:$0x0];
	_ =	sdelay $0x2  }
0xb8: {  	s31 =	sshll.u32 s1, $0xD;
	s1 =	sshrl.u32 s1, $0x2  }
0xb9: {  	s3 =	sand.u32 $0x4000, s31;
	s1 =	sadd.s32 s1, s30  }
0xba: {  	s0 =	sor.u32 s3, s0;
	s1 =	sshll.u32 s1, $0x11  }
0xbb: {  	s0 =	sor.u32 s1, s0  }
0xbc: {  	s0 =	sadd.s32 $0x8F2B, s0  }
0xbd: {  	[sflag:s0] =	ssyncadd.remote.s32 $0x1  }
0xbe: {  	_ =	sfence.sel $0xFFFF  }
0xbf: {  	[dreg:$0x0] =	wrdreg $0xFFFFFFFF;
	(pc) =	sbr.abs _section_cstart, $3  }
0xc0: {  	[dreg:$0x1] =	wrdreg $0xFFFFFFFF  }
0xc1: {  	_ =	task.clear_ibuf [dreg:s7], $0x2FFFF;
	_ =	strace $0x9FFFFFFF  }
0xc2: {  	(tm) =	ssettm $0x7FFFFFFF  }
0xc3: {  	_ =	shalt  }
tec
execute0_lowered:
.L_overlay_start_1:
0x0: {  	(tag) =	ssettag $0x1  }
0x1: {  	s0 =	rddreg [dreg:$0x0]  }
0x2: {  	s5 =	rddreg [dreg:$0x1];
	s1 =	stileid.u32  }
0x3: {  	s2 =	srdreg.scid;
	s8 =	simm.s32 $0x80;
	s26 =	simm.s32 $0x880  }
0x4: {  	s9 =	simm.s32 $0x1080;
	s10 =	simm.s32 $0x1880;
	s11 =	simm.s32 $0x2080  }
0x5: {  	s12 =	simm.s32 $0x2880;
	s13 =	simm.s32 $0x3080;
	s14 =	simm.s32 $0x3880  }
0x6: {  	s15 =	simm.s32 $0x4080;
	s16 =	simm.s32 $0x4880;
	s17 =	simm.s32 $0x5080  }
0x7: {  	s18 =	simm.s32 $0x5880;
	s19 =	simm.s32 $0x6080;
	s20 =	simm.s32 $0x6880  }
0x8: {  	s21 =	simm.s32 $0x7080;
	s22 =	simm.s32 $0x7880;
	s23 =	simm.s32 $0x8080  }
0x9: {  	s28 =	simm.s32 $0xA080;
	s29 =	simm.s32 $0xA880;
	s30 =	simm.s32 $0xB080  }
0xa: {  	s31 =	simm.s32 $0xB880;
	s3 =	sshll.u32 s1, $0x3;
	s4 =	sand.u32 $0x1, s2  }
0xb: {  	s2 =	simm.s32 $0x0;
	s24 =	smul.u32 $0x1800, s1;
	s3 =	sadd.s32 s3, s5  }
0xc: {  	s6 =	sshll.u32 s4, $0x7;
	[smem:$0x7FF] =	sst s2;
	s4 =	ssub.s32 $0x2, s4  }
0xd: {  	s3 =	sadd.s32 s6, s3;
	_ =	strace $0x80000047;
	s7 =	sshrl.u32 s4, $0x1  }
0xe: {  	s0 =	sadd.s32 s0, s24;
	[dreg:$0x5] =	wrdreg s26;
	s24 =	simm.s32 $0x8880  }
0xf: {  	s26 =	simm.s32 $0x9880;
	s3 =	sadd.s32 $0x1200, s3;
	s25 =	ssub.s32 s4, s7  }
0x10: {  	v2 =	vlaneseq.u32;
	[dreg:$0x4] =	wrdreg s0;
	s4 =	sadd.s32 $0x1700, s5;
	s7 =	simm.s32 $0x2  }
0x11: {  	vm0 =	vmmov $0xffff;
	v1 =	vshrl.u32 v2, $0x3;
	s0 =	simm.s32 $0x1;
	[dreg:$0x3] =	wrdreg s3;
	s3 =	sadd.s32 $0x1600, s5  }
0x12: {  	v0 =	vand.u32 $0x7, v2;
	v2 =	vor.u32 $0x8, v2;
	v1 =	vmul.u32 $0x8, v1;
	s5 =	sadd.s32 $0x1800, s5;
	s6 =	smax.u32 s25, $0x1;
	s25 =	simm.s32 $0x9080  }
.LBB2_1:
0x13: {  	s1 =	rddreg [dreg:$0x3]  }
0x14: {  	[tilespmem:s2], [sflag:$0x2] =	stream.linear.gather [hbm4b:s1+s2], $0x40, $0x38;
	[tilespmem:$0xC080] =	vst v63  }
0x15: {  	_ =	swait.ge [sflag:s7], $0x40  }
0x16: {  	[sflag:s7] =	ssyncset.done $0x0  }
0x17: {  	s1 =	rddreg [dreg:$0x4];
	[sflag:s7] =	ssyncadd.s32 $0xFFFFFFC0  }
0x18: {  	[tilespmem:s8], [sflag:$0x2] =	stream.linear.gather [hbm4b:s1+s2], $0xC000, $0x38;
	[tilespmem:$0xC080] =	vst v63  }
0x19: {  	_ =	swait.ge [sflag:s7], $0xC000  }
0x1a: {  	[sflag:s7] =	ssyncset.done $0x0  }
0x1b: {  	[sflag:s7] =	ssyncadd.s32 $0xFFFF4000  }
0x1c: {  	v3 =	vld [tilespmem:$0x0];
	_ =	sdelay $0x4  }
0x1d: {  	v4 =	vshrl.u32 v3, $0x3  }
0x1e: {  	v4 =	vmul.u32 $0x30, v4  }
0x1f: {  	v3 =	vand.u32 $0x7, v3  }
0x20: {  	v3 =	vor.u32 v3, v4  }
0x21: {  	v4 =	vperm.xlane v3, v0;
	_ =	sdelay $0x1  }
0x22: {  	v4 =	vadd.s32 v1, v4;
	_ =	sdelay $0x3  }
0x23: {  	v3 =	vperm.xlane v3, v2  }
0x24: {  	[hbm4b:s3+s2] =	stream.indirect_vreg.scatter [tilespmem:s8], [sflag:$0x1], $0x80, v4, vm0, $0xb8;
	[tilespmem:$0xC080] =	vst v63  }
0x25: {  	s1 =	rddreg [dreg:$0x5];
	v3 =	vadd.s32 v1, v3  }
0x26: {  	[hbm4b:s4+s2] =	stream.indirect_vreg.scatter [tilespmem:s1], [sflag:$0x1], $0x80, v4, vm0, $0xb8;
	[tilespmem:$0xC080] =	vst v63  }
0x27: {  	_ = 	snop  }
0x28: {  	[hbm4b:s5+s2] =	stream.indirect_vreg.scatter [tilespmem:s9], [sflag:$0x1], $0x80, v4, vm0, $0xb8;
	[tilespmem:$0xC080] =	vst v63  }
0x29: {  	_ = 	snop  }
0x2a: {  	[hbm4b:s3+s2] =	stream.indirect_vreg.scatter [tilespmem:s10], [sflag:$0x1], $0x80, v3, vm0, $0xb8;
	[tilespmem:$0xC080] =	vst v63  }
0x2b: {  	_ = 	snop  }
0x2c: {  	[hbm4b:s4+s2] =	stream.indirect_vreg.scatter [tilespmem:s11], [sflag:$0x1], $0x80, v3, vm0, $0xb8;
	[tilespmem:$0xC080] =	vst v63  }
0x2d: {  	_ = 	snop  }
0x2e: {  	[hbm4b:s5+s2] =	stream.indirect_vreg.scatter [tilespmem:s12], [sflag:$0x1], $0x80, v3, vm0, $0xb8;
	[tilespmem:$0xC080] =	vst v63  }
0x2f: {  	v3 =	vld [tilespmem:$0x10];
	_ =	sdelay $0x4  }
0x30: {  	v61 =	vshrl.u32 v3, $0x3  }
0x31: {  	v4 =	vmul.u32 $0x30, v61  }
0x32: {  	v3 =	vand.u32 $0x7, v3  }
0x33: {  	v3 =	vor.u32 v3, v4  }
0x34: {  	v4 =	vperm.xlane v3, v0;
	_ =	sdelay $0x1  }
0x35: {  	v4 =	vadd.s32 v1, v4;
	_ =	sdelay $0x3  }
0x36: {  	v3 =	vperm.xlane v3, v2  }
0x37: {  	[hbm4b:s3+s2] =	stream.indirect_vreg.scatter [tilespmem:s13], [sflag:$0x1], $0x80, v4, vm0, $0xb8;
	[tilespmem:$0xC080] =	vst v63  }
0x38: {  	v3 =	vadd.s32 v1, v3  }
0x39: {  	[hbm4b:s4+s2] =	stream.indirect_vreg.scatter [tilespmem:s14], [sflag:$0x1], $0x80, v4, vm0, $0xb8;
	[tilespmem:$0xC080] =	vst v63  }
0x3a: {  	_ = 	snop  }
0x3b: {  	[hbm4b:s5+s2] =	stream.indirect_vreg.scatter [tilespmem:s15], [sflag:$0x1], $0x80, v4, vm0, $0xb8;
	[tilespmem:$0xC080] =	vst v63  }
0x3c: {  	_ = 	snop  }
0x3d: {  	[hbm4b:s3+s2] =	stream.indirect_vreg.scatter [tilespmem:s16], [sflag:$0x1], $0x80, v3, vm0, $0xb8;
	[tilespmem:$0xC080] =	vst v63  }
0x3e: {  	_ = 	snop  }
0x3f: {  	[hbm4b:s4+s2] =	stream.indirect_vreg.scatter [tilespmem:s17], [sflag:$0x1], $0x80, v3, vm0, $0xb8;
	[tilespmem:$0xC080] =	vst v63  }
0x40: {  	_ = 	snop  }
0x41: {  	[hbm4b:s5+s2] =	stream.indirect_vreg.scatter [tilespmem:s18], [sflag:$0x1], $0x80, v3, vm0, $0xb8;
	[tilespmem:$0xC080] =	vst v63  }
0x42: {  	v3 =	vld [tilespmem:$0x20];
	_ =	sdelay $0x4  }
0x43: {  	v62 =	vshrl.u32 v3, $0x3  }
0x44: {  	v4 =	vmul.u32 $0x30, v62  }
0x45: {  	v3 =	vand.u32 $0x7, v3  }
0x46: {  	v3 =	vor.u32 v3, v4  }
0x47: {  	v4 =	vperm.xlane v3, v0;
	_ =	sdelay $0x1  }
0x48: {  	v4 =	vadd.s32 v1, v4;
	_ =	sdelay $0x3  }
0x49: {  	v3 =	vperm.xlane v3, v2  }
0x4a: {  	[hbm4b:s3+s2] =	stream.indirect_vreg.scatter [tilespmem:s19], [sflag:$0x1], $0x80, v4, vm0, $0xb8;
	[tilespmem:$0xC080] =	vst v63  }
0x4b: {  	v3 =	vadd.s32 v1, v3  }
0x4c: {  	[hbm4b:s4+s2] =	stream.indirect_vreg.scatter [tilespmem:s20], [sflag:$0x1], $0x80, v4, vm0, $0xb8;
	[tilespmem:$0xC080] =	vst v63  }
0x4d: {  	_ = 	snop  }
0x4e: {  	[hbm4b:s5+s2] =	stream.indirect_vreg.scatter [tilespmem:s21], [sflag:$0x1], $0x80, v4, vm0, $0xb8;
	[tilespmem:$0xC080] =	vst v63  }
0x4f: {  	_ = 	snop  }
0x50: {  	[hbm4b:s3+s2] =	stream.indirect_vreg.scatter [tilespmem:s22], [sflag:$0x1], $0x80, v3, vm0, $0xb8;
	[tilespmem:$0xC080] =	vst v63  }
0x51: {  	_ = 	snop  }
0x52: {  	[hbm4b:s4+s2] =	stream.indirect_vreg.scatter [tilespmem:s23], [sflag:$0x1], $0x80, v3, vm0, $0xb8;
	[tilespmem:$0xC080] =	vst v63  }
0x53: {  	_ = 	snop  }
0x54: {  	[hbm4b:s5+s2] =	stream.indirect_vreg.scatter [tilespmem:s24], [sflag:$0x1], $0x80, v3, vm0, $0xb8;
	[tilespmem:$0xC080] =	vst v63  }
0x55: {  	v3 =	vld [tilespmem:$0x30];
	_ =	sdelay $0x4  }
0x56: {  	v63 =	vshrl.u32 v3, $0x3  }
0x57: {  	v4 =	vmul.u32 $0x30, v63  }
0x58: {  	v3 =	vand.u32 $0x7, v3  }
0x59: {  	v3 =	vor.u32 v3, v4  }
0x5a: {  	v4 =	vperm.xlane v3, v0;
	_ =	sdelay $0x1  }
0x5b: {  	v4 =	vadd.s32 v1, v4;
	_ =	sdelay $0x3  }
0x5c: {  	v3 =	vperm.xlane v3, v2  }
0x5d: {  	[hbm4b:s3+s2] =	stream.indirect_vreg.scatter [tilespmem:s25], [sflag:$0x1], $0x80, v4, vm0, $0xb8;
	[tilespmem:$0xC080] =	vst v63  }
0x5e: {  	v3 =	vadd.s32 v1, v3  }
0x5f: {  	[hbm4b:s4+s2] =	stream.indirect_vreg.scatter [tilespmem:s26], [sflag:$0x1], $0x80, v4, vm0, $0xb8;
	[tilespmem:$0xC080] =	vst v63  }
0x60: {  	_ = 	snop  }
0x61: {  	[hbm4b:s5+s2] =	stream.indirect_vreg.scatter [tilespmem:s28], [sflag:$0x1], $0x80, v4, vm0, $0xb8;
	[tilespmem:$0xC080] =	vst v63  }
0x62: {  	_ = 	snop  }
0x63: {  	[hbm4b:s3+s2] =	stream.indirect_vreg.scatter [tilespmem:s29], [sflag:$0x1], $0x80, v3, vm0, $0xb8;
	[tilespmem:$0xC080] =	vst v63  }
0x64: {  	p0 =	sne.s32 s6, $0x1  }
0x65: {  	[hbm4b:s4+s2] =	stream.indirect_vreg.scatter [tilespmem:s30], [sflag:$0x1], $0x80, v3, vm0, $0xb8;
	[tilespmem:$0xC080] =	vst v63  }
.Ltmp0:
0x66: {  	_ = 	snop;
	(pc) =	sbr.rel @p0 .LBB2_1-.Ltmp0, $4  }
0x67: {  	[hbm4b:s5+s2] =	stream.indirect_vreg.scatter [tilespmem:s31], [sflag:$0x1], $0x80, v3, vm0, $0xb8;
	[tilespmem:$0xC080] =	vst v63  }
0x68: {  	_ =	swait.ge [sflag:s0], $0xC000  }
0x69: {  	[sflag:s0] =	ssyncset.done $0x0  }
0x6a: {  	s6 =	sadd.s32 $0xFFFFFFFF, s6;
	[sflag:s0] =	ssyncadd.s32 $0xFFFF4000  }
0x6b: {  	_ =	sfence.sel $0x180000  }
0x6c: {  	[bflag:$0x0] =	sbarrier.arrive $0xFFFF  }
0x6d: {  	_ =	strace $0x90000047  }
0x6e: {  	s0 =	stileid.u32;
	[bflag:$0x2] =	sbarrier.arrive $0xFFFF  }
0x6f: {  	p0 =	sne.s32 s0, $0x0;
	s0 =	rddreg [dreg:$0x2]  }
0x70: {  	s0 =	sadd.s32 @!p0 $0x100000, s0  }
0x71: {  	[sflag:s0] =	ssyncadd.tile.s32 @!p0 $0x1;
	_ =	shalt  }
.Lfunc_end2:
_tile_overlayer_lowered:
.L_overlay_start_2:
0x72: {  	(tag) =	ssettag $0x2  }
0x73: {  	s0 =	rddreg [dreg:$0x0];
	s2 =	stileid.u32  }
0x74: {  	s1 =	rddreg [dreg:$0x1];
	p0 =	sne.s32 s2, $0x0  }
0x75: {  	s3 =	rddreg [dreg:$0x2];
	[bflag:$0x3] =	sbarrier.arrive $0xFFFF;
	s2 =	simm.s32 @!p0 $0x1C02  }
0x76: {  	[timem:s3], [sflag:s2] =	dma.local @!p0 [hbm:s0], s1  }
0x77: {  	s0 =	simm.s32 @!p0 $0x2  }
0x78: {  	_ =	swait.ge @!p0 [sflag:s0], s1  }
0x79: {  	s1 =	ssub.s32 @!p0 $0x0, s1;
	[sflag:s0] =	ssyncset.done @!p0 $0x0  }
0x7a: {  	[sflag:s0] =	ssyncadd.s32 @!p0 s1  }
0x7b: {  	[bflag:$0x3] =	sbarrier.arrive $0xFFFF  }
0x7c: {  	_ =	shalt  }

// kernel: kernel.9.cloned.1.call-start
scs
__scs_entry_jumppad:
0x0: {  	(pc) =	sbr.rel $0x88, $3  }
0x1: {  	(tag) =	ssettag $0x0;
	lr =	simm.s32 $0x1  }
0x2: {  	[smem:$0x3F98] =	sst lr;
	_ =	strace $0xD0000000  }
0x3: {  	_ = 	snop  }
0x4: {  	_ = 	snop  }
0x5: {  	_ = 	snop  }
0x6: {  	_ = 	snop  }
0x7: {  	_ = 	snop  }
__scs_overlays_trampoline_lowered:
0x8: {  	[smem:$0x3FA7] =	sst s0  }
0x9: {  	[smem:$0x3FA8] =	sst s1  }
0xa: {  	[smem:$0x3FA9] =	sst s2  }
0xb: {  	[smem:$0x3FAA] =	sst s3  }
0xc: {  	[smem:$0x3FAB] =	sst s4  }
0xd: {  	[smem:$0x3FAC] =	sst s5  }
0xe: {  	[smem:$0x3FAD] =	sst s6  }
0xf: {  	[smem:$0x3FAE] =	sst s7  }
0x10: {  	[smem:$0x3FAF] =	sst s8  }
0x11: {  	[smem:$0x3FB0] =	sst s9;
	s0 =	simm.s32 @!p0 $0x0  }
0x12: {  	s1 =	sld [smem:$0x3F96];
	s0 =	simm.s32 @p0 $0x1  }
0x13: {  	[smem:$0x3FB1] =	sst s0;
	s0 =	simm.s32 @!p1 $0x0  }
0x14: {  	s2 =	sld [smem:$0x3F95];
	s0 =	simm.s32 @p1 $0x1  }
0x15: {  	[smem:$0x3FB2] =	sst s0;
	s0 =	simm.s32 @!p2 $0x0  }
0x16: {  	s3 =	sld [smem:$0x3FDB];
	s0 =	simm.s32 @p2 $0x1  }
0x17: {  	s4 =	simm.s32 $0x1BF5;
	[smem:$0x3FB4] =	sst s0  }
0x18: {  	s0 =	sld [smem:$0x3F97];
	_ =	swait.ge [sflag:s4], $0x0  }
0x19: {  	s7 =	sld [smem:$0x3F98]  }
0x1a: {  	s8 =	sadd.s32 $0xFFFFE003, lr  }
0x1b: {  	s9 =	sadd.s32 $0xFFFFFEF7, lr;
	s5 =	simm.s32 $0xFFFFFFFF;
	p2 =	slt.u32 s8, $0xFFFFF086  }
0x1c: {  	p1 =	slt.u32 s9, $0xF7A;
	s5 =	simm.s32 @!p2 $0x0  }
0x1d: {  	s5 =	simm.s32 @p1 $0x1;
	p0 =	seq.s32 s7, s2  }
0x1e: {  	s7 =	smul.u32 @!p0 $0xF7A, s2;
	p2 =	seq.s32 @!p0 s5, $0x0  }
0x1f: {  	s9 =	smul.u32 $0xF7A, s1;
	s8 =	simm.s32 @!p0 $0x1BF5;
	p2 =	por !p2, p0  }
0x20: {  	[sflag:s8] =	ssyncset.s32 @!p0 $0xFFFFF086;
	s6 =	sadd.s32 @!p0 s3, s7;
	s7 =	simm.s32 @!p0 $0x108  }
0x21: {  	s3 =	sadd.s32 s3, s9;
	s6 =	sadd.s32 @!p0 $0x88, s6;
	s7 =	simm.s32 @p2 $0x1082  }
0x22: {  	[simem:s7], [sflag:s8] =	dma.local @!p0 [hbm:s6], $0xF7A  }
0x23: {  	s9 =	sor.u32 $0xD0000000, s2;
	s6 =	simm.s32 $0x108;
	_ =	swait.ge @!p0 [sflag:s8], $0x0  }
0x24: {  	s3 =	sadd.s32 $0x88, s3;
	s6 =	simm.s32 @!p1 $0x1082;
	[sflag:s4] =	ssyncset.s32 $0xFFFFF086  }
0x25: {  	[simem:s6], [sflag:s4] =	dma.local [hbm:s3], $0xF7A  }
0x26: {  	[smem:$0x3F98] =	sst s1;
	(tag) =	ssettag s2;
	_ =	strace s9  }
0x27: {  	s1 =	sld [smem:$0x3FA8]  }
0x28: {  	s2 =	sld [smem:$0x3FA9]  }
0x29: {  	s4 =	sld [smem:$0x3FAB]  }
0x2a: {  	p0 =	seq.s32 s5, $0x0;
	s5 =	sld [smem:$0x3FAC]  }
0x2b: {  	s6 =	sld [smem:$0x3FAD]  }
0x2c: {  	s7 =	sld [smem:$0x3FAE]  }
0x2d: {  	s3 =	simm.s32 $0x108;
	s8 =	sld [smem:$0x3FAF]  }
0x2e: {  	s3 =	simm.s32 @!p0 $0x1082;
	s9 =	sld [smem:$0x3FB0]  }
0x2f: {  	lr =	sadd.s32 s0, s3;
	s0 =	sld [smem:$0x3FA7]  }
0x30: {  	s3 =	sld [smem:$0x3FAA]  }
0x31: {  	[smem:$0x3FB3] =	sst s10  }
0x32: {  	s10 =	sld [smem:$0x3FB1];
	_ =	sdelay $0x3  }
0x33: {  	p0 =	seq.s32 s10, $0x1;
	s10 =	sld [smem:$0x3FB3];
	_ =	sdelay $0x3  }
0x34: {  	[smem:$0x3FB3] =	sst s10  }
0x35: {  	s10 =	sld [smem:$0x3FB2];
	_ =	sdelay $0x3  }
0x36: {  	p1 =	seq.s32 s10, $0x1;
	s10 =	sld [smem:$0x3FB3];
	_ =	sdelay $0x3  }
0x37: {  	[smem:$0x3FB3] =	sst s10  }
0x38: {  	s10 =	sld [smem:$0x3FB4]  }
0x39: {  	_ = 	snop;
	(pc) =	sbr.ind lr, $3  }
0x3a: {  	_ = 	snop  }
0x3b: {  	_ = 	snop  }
0x3c: {  	p2 =	seq.s32 s10, $0x1;
	s10 =	sld [smem:$0x3FB3]  }
0x3d: {  	_ =	shalt  }
0x3e: {  	_ =	shalt  }
0x3f: {  	_ =	shalt  }
0x40: {  	_ =	shalt  }
0x41: {  	_ =	shalt  }
0x42: {  	_ =	shalt  }
0x43: {  	_ =	shalt  }
0x44: {  	_ =	shalt  }
0x45: {  	_ =	shalt  }
0x46: {  	_ =	shalt  }
0x47: {  	_ =	shalt  }
0x48: {  	_ =	shalt  }
0x49: {  	_ =	shalt  }
0x4a: {  	_ =	shalt  }
0x4b: {  	_ =	shalt  }
0x4c: {  	_ =	shalt  }
0x4d: {  	_ =	shalt  }
0x4e: {  	_ =	shalt  }
0x4f: {  	_ =	shalt  }
0x50: {  	_ =	shalt  }
0x51: {  	_ =	shalt  }
0x52: {  	_ =	shalt  }
0x53: {  	_ =	shalt  }
0x54: {  	_ =	shalt  }
0x55: {  	_ =	shalt  }
0x56: {  	_ =	shalt  }
0x57: {  	_ =	shalt  }
0x58: {  	_ =	shalt  }
0x59: {  	_ =	shalt  }
0x5a: {  	_ =	shalt  }
0x5b: {  	_ =	shalt  }
0x5c: {  	_ =	shalt  }
0x5d: {  	_ =	shalt  }
0x5e: {  	_ =	shalt  }
0x5f: {  	_ =	shalt  }
0x60: {  	_ =	shalt  }
0x61: {  	_ =	shalt  }
0x62: {  	_ =	shalt  }
0x63: {  	_ =	shalt  }
0x64: {  	_ =	shalt  }
0x65: {  	_ =	shalt  }
0x66: {  	_ =	shalt  }
0x67: {  	_ =	shalt  }
0x68: {  	_ =	shalt  }
0x69: {  	_ =	shalt  }
0x6a: {  	_ =	shalt  }
0x6b: {  	_ =	shalt  }
0x6c: {  	_ =	shalt  }
0x6d: {  	_ =	shalt  }
0x6e: {  	_ =	shalt  }
0x6f: {  	_ =	shalt  }
0x70: {  	_ =	shalt  }
0x71: {  	_ =	shalt  }
0x72: {  	_ =	shalt  }
0x73: {  	_ =	shalt  }
0x74: {  	_ =	shalt  }
0x75: {  	_ =	shalt  }
0x76: {  	_ =	shalt  }
0x77: {  	_ =	shalt  }
0x78: {  	_ =	shalt  }
0x79: {  	_ =	shalt  }
0x7a: {  	_ =	shalt  }
0x7b: {  	_ =	shalt  }
0x7c: {  	_ =	shalt  }
0x7d: {  	_ =	shalt  }
0x7e: {  	_ =	shalt  }
0x7f: {  	_ =	shalt  }
0x80: {  	_ =	shalt  }
0x81: {  	_ =	shalt  }
0x82: {  	_ =	shalt  }
0x83: {  	_ =	shalt  }
0x84: {  	_ =	shalt  }
0x85: {  	_ =	shalt  }
0x86: {  	_ =	shalt  }
0x87: {  	_ =	shalt  }
.Lfunc_end0:
.L_simem_size_0:
called_computation.1_lowered:
.L_overlay_start_0:
0x88: {  	s2 =	sld [smem:$0x3FD9]  }
0x89: {  	s3 =	sld [smem:$0x3FFE];
	_ =	sdelay $0x1  }
0x8a: {  	s1 =	srdreg.scid  }
0x8b: {  	s0 =	sand.u32 $0x1, s1  }
0x8c: {  	s17 =	sshll.u32 s0, $0xA;
	s2 =	sadd.s32 s3, s2  }
0x8d: {  	s2 =	sadd.s32 s2, s17  }
0x8e: {  	[smem:$0x3FBF] =	sst s2  }
0x8f: {  	_ = 	snop  }
0x90: {  	s2 =	sld [smem:$0x3FD0];
	(tm) =	ssettm $0x1  }
0x91: {  	s18 =	sld [smem:$0x3FFB];
	_ =	sdelay $0x3  }
0x92: {  	_ =	strace s18  }
0x93: {  	s3 =	sld [smem:$0x3FFC];
	_ =	sdelay $0x3  }
0x94: {  	_ =	strace s3  }
0x95: {  	s3 =	sld [smem:$0x3FFD];
	_ =	sdelay $0x3  }
0x96: {  	_ =	strace s3  }
0x97: {  	_ =	strace $0x8FFFFFFF  }
0x98: {  	s19 =	sld [smem:$0x3FDB];
	_ =	sdelay $0x1  }
0x99: {  	s4 =	simm.s32 $_scs_section_size  }
0x9a: {  	s5 =	simm.s32 $_size__tile_overlayer_lowered;
	s6 =	simm.s32 $_tile_overlayer_lowered  }
0x9b: {  	s22 =	simm.s32 $0x1BFF;
	s21 =	sshll.u32 s6, $0x1;
	s3 =	sadd.s32 s4, s19  }
0x9c: {  	s7 =	simm.s32 $0x0;
	s20 =	sshll.u32 s5, $0x1;
	s5 =	sadd.s32 s21, s3  }
0x9d: {  	[timem:s7], [sflag:s22] =	dma.local [hbm:s5], s20  }
0x9e: {  	_ =	swait.ge [sflag:s22], s20  }
0x9f: {  	s4 =	ssub.s32 $0x0, s20;
	[sflag:s22] =	ssyncset.done $0x0  }
0xa0: {  	[sflag:s22] =	ssyncadd.s32 s4;
	_ =	sdelay $0x1  }
0xa1: {  	s23 =	simm.s32 $0x1B8B  }
0xa2: {  	_ =	swait.ge [sflag:s23], $0x1  }
0xa3: {  	[sflag:s23] =	ssyncset.done $0x0  }
0xa4: {  	s25 =	simm.s32 $0x1B8E;
	s24 =	sld [smem:$0x3FFE];
	[sflag:s23] =	ssyncadd.s32 $0xFFFFFFFF  }
0xa5: {  	s26 =	simm.s32 $execute0_lowered;
	[smem:$0x3FD2] =	sst s25  }
0xa6: {  	s5 =	sshll.u32 s26, $0x1;
	_ =	strace $0x80000049;
	[dreg:$0x1] =	wrdreg $0xFFFFFFFF  }
0xa7: {  	s28 =	simm.s32 $_size_execute0_lowered;
	s3 =	sadd.s32 s3, s5;
	[dreg:$0x0] =	wrdreg $0x0  }
0xa8: {  	s5 =	sshll.u32 s28, $0x1;
	[dreg:$0x2] =	wrdreg s3  }
0xa9: {  	[dreg:$0x3] =	wrdreg s5  }
0xaa: {  	[dreg:$0x4] =	wrdreg $0xC0  }
0xab: {  	_ =	task [dreg:s7], $0x5FFFF  }
0xac: {  	[dreg:$0x1] =	wrdreg $0xFFFFFFFF  }
0xad: {  	[dreg:$0x0] =	wrdreg $0x60  }
0xae: {  	[dreg:$0x2] =	wrdreg s24  }
0xaf: {  	[dreg:$0x3] =	wrdreg s2  }
0xb0: {  	[dreg:$0x4] =	wrdreg $0x9  }
0xb1: {  	_ =	task.clear_ibuf [dreg:s7], $0x5FFFF;
	_ =	strace $0x90000049  }
0xb2: {  	s29 =	simm.s32 $0x9;
	_ =	strace $0x8000004B  }
0xb3: {  	_ =	swait.ge [sflag:s29], $0x1  }
0xb4: {  	[sflag:s29] =	ssyncadd.s32 $0xFFFFFFFF  }
0xb5: {  	_ =	strace $0x9000004B  }
0xb6: {  	_ =	sfence  }
0xb7: {  	s30 =	sld [smem:$0x0];
	_ =	sdelay $0x2  }
0xb8: {  	s31 =	sshll.u32 s1, $0xD;
	s1 =	sshrl.u32 s1, $0x2  }
0xb9: {  	s3 =	sand.u32 $0x4000, s31;
	s1 =	sadd.s32 s1, s30  }
0xba: {  	s0 =	sor.u32 s3, s0;
	s1 =	sshll.u32 s1, $0x11  }
0xbb: {  	s0 =	sor.u32 s1, s0  }
0xbc: {  	s0 =	sadd.s32 $0x8F2B, s0  }
0xbd: {  	[sflag:s0] =	ssyncadd.remote.s32 $0x1  }
0xbe: {  	_ =	sfence.sel $0xFFFF  }
0xbf: {  	[dreg:$0x0] =	wrdreg $0xFFFFFFFF;
	(pc) =	sbr.abs _section_cstart, $3  }
0xc0: {  	[dreg:$0x1] =	wrdreg $0xFFFFFFFF  }
0xc1: {  	_ =	task.clear_ibuf [dreg:s7], $0x2FFFF;
	_ =	strace $0x9FFFFFFF  }
0xc2: {  	(tm) =	ssettm $0x7FFFFFFF  }
0xc3: {  	_ =	shalt  }
tec
execute0_lowered:
.L_overlay_start_1:
0x0: {  	(tag) =	ssettag $0x1  }
0x1: {  	s0 =	rddreg [dreg:$0x0]  }
0x2: {  	s2 =	rddreg [dreg:$0x1];
	s1 =	simm.s32 $0x0;
	s4 =	srdreg.scid  }
0x3: {  	s7 =	stileid.u32;
	s12 =	simm.s32 $0x3;
	s14 =	simm.s32 $0x100  }
0x4: {  	s15 =	simm.s32 $0x180;
	s16 =	simm.s32 $0x200;
	s13 =	simm.s32 $0x8A00  }
0x5: {  	s17 =	simm.s32 $0x9200;
	s18 =	simm.s32 $0x9A00;
	s19 =	simm.s32 $0xA200  }
0x6: {  	s20 =	simm.s32 $0xAA00;
	s21 =	simm.s32 $0xB200;
	s22 =	simm.s32 $0xBA00  }
0x7: {  	s23 =	simm.s32 $0x1;
	s24 =	simm.s32 $0x2;
	s25 =	simm.s32 $0x0  }
0x8: {  	[smem:$0x7FF] =	sst s1;
	s3 =	sadd.s32 $0x1600, s0;
	s4 =	sand.u32 $0x1, s4  }
0x9: {  	s5 =	sadd.s32 $0x1200, s0;
	s7 =	sshll.u32 s7, $0x2;
	s6 =	ssub.s32 $0x2, s4  }
0xa: {  	s8 =	sadd.s32 $0x1400, s0;
	s4 =	sshll.u32 s4, $0x6;
	s9 =	sshrl.u32 s6, $0x1  }
0xb: {  	_ =	strace $0x8000004A;
	s7 =	sor.u32 s7, s4;
	s11 =	ssub.s32 s6, s9  }
0xc: {  	s4 =	sadd.s32 s5, s7;
	s31 =	sor.u32 $0x80, s7;
	s6 =	sadd.s32 s8, s7  }
0xd: {  	v2 =	vlaneseq.u32;
	s10 =	smul.u32 $0x300, s7;
	s9 =	sadd.s32 $0x1800, s0;
	s5 =	sadd.s32 s5, s31  }
0xe: {  	vm0 =	vmmov $0xffff;
	v1 =	vshrl.u32 v2, $0x3;
	s7 =	sadd.s32 s8, s31;
	s8 =	sadd.s32 $0x1700, s0;
	s11 =	smax.u32 s11, $0x1  }
0xf: {  	v0 =	vand.u32 $0x7, v2;
	v2 =	vor.u32 $0x8, v2;
	v1 =	vmul.u32 $0x8, v1;
	s0 =	simm.s32 $0x7A00;
	s10 =	sadd.s32 s2, s10;
	s2 =	simm.s32 $0x8200  }
.LBB2_1:
0x10: {  	[tilespmem:s1], [sflag:$0x3] =	stream.linear.gather [hbm4b:s4+s1], $0x20, $0x38;
	[tilespmem:$0xC200] =	vst v63  }
0x11: {  	_ =	swait.ge [sflag:s12], $0x20  }
0x12: {  	[sflag:s12] =	ssyncset.done $0x0  }
0x13: {  	s26 =	simm.s32 $0x80;
	[sflag:s12] =	ssyncadd.s32 $0xFFFFFFE0  }
0x14: {  	[tilespmem:s26], [sflag:$0x3] =	stream.linear.gather [hbm4b:s5+s1], $0x20, $0x38;
	[tilespmem:$0xC200] =	vst v63  }
0x15: {  	_ =	swait.ge [sflag:s12], $0x20  }
0x16: {  	[sflag:s12] =	ssyncset.done $0x0  }
0x17: {  	[sflag:s12] =	ssyncadd.s32 $0xFFFFFFE0  }
0x18: {  	[tilespmem:s14], [sflag:$0x3] =	stream.linear.gather [hbm4b:s6+s1], $0x20, $0x38;
	[tilespmem:$0xC200] =	vst v63  }
0x19: {  	_ =	swait.ge [sflag:s12], $0x20  }
0x1a: {  	[sflag:s12] =	ssyncset.done $0x0  }
0x1b: {  	[sflag:s12] =	ssyncadd.s32 $0xFFFFFFE0  }
0x1c: {  	[tilespmem:s15], [sflag:$0x3] =	stream.linear.gather [hbm4b:s7+s1], $0x20, $0x38;
	[tilespmem:$0xC200] =	vst v63  }
0x1d: {  	_ =	swait.ge [sflag:s12], $0x20  }
0x1e: {  	[sflag:s12] =	ssyncset.done $0x0  }
0x1f: {  	[sflag:s12] =	ssyncadd.s32 $0xFFFFFFE0  }
0x20: {  	v3 =	vld [tilespmem:$0x0];
	_ =	sdelay $0x4  }
0x21: {  	v4 =	vshrl.u32 v3, $0x3  }
0x22: {  	v4 =	vmul.u32 $0x30, v4  }
0x23: {  	v3 =	vand.u32 $0x7, v3  }
0x24: {  	v3 =	vor.u32 v3, v4  }
0x25: {  	v4 =	vperm.xlane v3, v0;
	_ =	sdelay $0x1  }
0x26: {  	v4 =	vadd.s32 v1, v4;
	_ =	sdelay $0x3  }
0x27: {  	v3 =	vperm.xlane v3, v2  }
0x28: {  	[tilespmem:s16], [sflag:$0x1] =	stream.indirect_vreg.gather [hbm4b:s3+s1], $0x80, v4, vm0, $0xb8;
	[tilespmem:$0xC200] =	vst v63  }
0x29: {  	s31 =	simm.s32 $0xA00;
	v3 =	vadd.s32 v1, v3  }
0x2a: {  	[tilespmem:s31], [sflag:$0x1] =	stream.indirect_vreg.gather [hbm4b:s8+s1], $0x80, v4, vm0, $0xb8;
	[tilespmem:$0xC200] =	vst v63  }
0x2b: {  	s30 =	simm.s32 $0x1200  }
0x2c: {  	[tilespmem:s30], [sflag:$0x1] =	stream.indirect_vreg.gather [hbm4b:s9+s1], $0x80, v4, vm0, $0xb8;
	[tilespmem:$0xC200] =	vst v63  }
0x2d: {  	s31 =	simm.s32 $0x1A00  }
0x2e: {  	[tilespmem:s31], [sflag:$0x1] =	stream.indirect_vreg.gather [hbm4b:s3+s1], $0x80, v3, vm0, $0xb8;
	[tilespmem:$0xC200] =	vst v63  }
0x2f: {  	s30 =	simm.s32 $0x2200  }
0x30: {  	[tilespmem:s30], [sflag:$0x1] =	stream.indirect_vreg.gather [hbm4b:s8+s1], $0x80, v3, vm0, $0xb8;
	[tilespmem:$0xC200] =	vst v63  }
0x31: {  	s31 =	simm.s32 $0x2A00  }
0x32: {  	[tilespmem:s31], [sflag:$0x1] =	stream.indirect_vreg.gather [hbm4b:s9+s1], $0x80, v3, vm0, $0xb8;
	[tilespmem:$0xC200] =	vst v63  }
0x33: {  	v3 =	vld [tilespmem:$0x10];
	_ =	sdelay $0x4  }
0x34: {  	v4 =	vshrl.u32 v3, $0x3  }
0x35: {  	v4 =	vmul.u32 $0x30, v4  }
0x36: {  	v3 =	vand.u32 $0x7, v3  }
0x37: {  	v3 =	vor.u32 v3, v4  }
0x38: {  	v4 =	vperm.xlane v3, v0;
	_ =	sdelay $0x1  }
0x39: {  	v4 =	vadd.s32 v1, v4;
	_ =	sdelay $0x3  }
0x3a: {  	s30 =	simm.s32 $0x3200;
	v3 =	vperm.xlane v3, v2  }
0x3b: {  	[tilespmem:s30], [sflag:$0x1] =	stream.indirect_vreg.gather [hbm4b:s3+s1], $0x80, v4, vm0, $0xb8;
	[tilespmem:$0xC200] =	vst v63  }
0x3c: {  	s31 =	simm.s32 $0x3A00;
	v3 =	vadd.s32 v1, v3  }
0x3d: {  	[tilespmem:s31], [sflag:$0x1] =	stream.indirect_vreg.gather [hbm4b:s8+s1], $0x80, v4, vm0, $0xb8;
	[tilespmem:$0xC200] =	vst v63  }
0x3e: {  	s30 =	simm.s32 $0x4200  }
0x3f: {  	[tilespmem:s30], [sflag:$0x1] =	stream.indirect_vreg.gather [hbm4b:s9+s1], $0x80, v4, vm0, $0xb8;
	[tilespmem:$0xC200] =	vst v63  }
0x40: {  	s31 =	simm.s32 $0x4A00  }
0x41: {  	[tilespmem:s31], [sflag:$0x1] =	stream.indirect_vreg.gather [hbm4b:s3+s1], $0x80, v3, vm0, $0xb8;
	[tilespmem:$0xC200] =	vst v63  }
0x42: {  	s30 =	simm.s32 $0x5200  }
0x43: {  	[tilespmem:s30], [sflag:$0x1] =	stream.indirect_vreg.gather [hbm4b:s8+s1], $0x80, v3, vm0, $0xb8;
	[tilespmem:$0xC200] =	vst v63  }
0x44: {  	s31 =	simm.s32 $0x5A00  }
0x45: {  	[tilespmem:s31], [sflag:$0x1] =	stream.indirect_vreg.gather [hbm4b:s9+s1], $0x80, v3, vm0, $0xb8;
	[tilespmem:$0xC200] =	vst v63  }
0x46: {  	v3 =	vld [tilespmem:$0x80];
	_ =	sdelay $0x4  }
0x47: {  	v4 =	vshrl.u32 v3, $0x3  }
0x48: {  	v4 =	vmul.u32 $0x30, v4  }
0x49: {  	v3 =	vand.u32 $0x7, v3  }
0x4a: {  	v3 =	vor.u32 v3, v4  }
0x4b: {  	v4 =	vperm.xlane v3, v0;
	_ =	sdelay $0x1  }
0x4c: {  	v4 =	vadd.s32 v1, v4;
	_ =	sdelay $0x3  }
0x4d: {  	s30 =	simm.s32 $0x6200;
	v3 =	vperm.xlane v3, v2  }
0x4e: {  	[tilespmem:s30], [sflag:$0x2] =	stream.indirect_vreg.gather [hbm4b:s3+s1], $0x80, v4, vm0, $0xb8;
	[tilespmem:$0xC200] =	vst v63  }
0x4f: {  	s31 =	simm.s32 $0x6A00;
	v3 =	vadd.s32 v1, v3  }
0x50: {  	[tilespmem:s31], [sflag:$0x2] =	stream.indirect_vreg.gather [hbm4b:s8+s1], $0x80, v4, vm0, $0xb8;
	[tilespmem:$0xC200] =	vst v63  }
0x51: {  	s30 =	simm.s32 $0x7200  }
0x52: {  	[tilespmem:s30], [sflag:$0x2] =	stream.indirect_vreg.gather [hbm4b:s9+s1], $0x80, v4, vm0, $0xb8;
	[tilespmem:$0xC200] =	vst v63  }
0x53: {  	_ = 	snop  }
0x54: {  	[tilespmem:s0], [sflag:$0x2] =	stream.indirect_vreg.gather [hbm4b:s3+s1], $0x80, v3, vm0, $0xb8;
	[tilespmem:$0xC200] =	vst v63  }
0x55: {  	_ = 	snop  }
0x56: {  	[tilespmem:s2], [sflag:$0x2] =	stream.indirect_vreg.gather [hbm4b:s8+s1], $0x80, v3, vm0, $0xb8;
	[tilespmem:$0xC200] =	vst v63  }
0x57: {  	_ = 	snop  }
0x58: {  	[tilespmem:s13], [sflag:$0x2] =	stream.indirect_vreg.gather [hbm4b:s9+s1], $0x80, v3, vm0, $0xb8;
	[tilespmem:$0xC200] =	vst v63  }
0x59: {  	v3 =	vld [tilespmem:$0x90];
	_ =	sdelay $0x4  }
0x5a: {  	v4 =	vshrl.u32 v3, $0x3  }
0x5b: {  	v4 =	vmul.u32 $0x30, v4  }
0x5c: {  	v3 =	vand.u32 $0x7, v3  }
0x5d: {  	v3 =	vor.u32 v3, v4  }
0x5e: {  	v4 =	vperm.xlane v3, v0;
	_ =	sdelay $0x1  }
0x5f: {  	v4 =	vadd.s32 v1, v4;
	_ =	sdelay $0x3  }
0x60: {  	v3 =	vperm.xlane v3, v2  }
0x61: {  	[tilespmem:s17], [sflag:$0x2] =	stream.indirect_vreg.gather [hbm4b:s3+s1], $0x80, v4, vm0, $0xb8;
	[tilespmem:$0xC200] =	vst v63  }
0x62: {  	v3 =	vadd.s32 v1, v3  }
0x63: {  	[tilespmem:s18], [sflag:$0x2] =	stream.indirect_vreg.gather [hbm4b:s8+s1], $0x80, v4, vm0, $0xb8;
	[tilespmem:$0xC200] =	vst v63  }
0x64: {  	_ = 	snop  }
0x65: {  	[tilespmem:s19], [sflag:$0x2] =	stream.indirect_vreg.gather [hbm4b:s9+s1], $0x80, v4, vm0, $0xb8;
	[tilespmem:$0xC200] =	vst v63  }
0x66: {  	_ = 	snop  }
0x67: {  	[tilespmem:s20], [sflag:$0x2] =	stream.indirect_vreg.gather [hbm4b:s3+s1], $0x80, v3, vm0, $0xb8;
	[tilespmem:$0xC200] =	vst v63  }
0x68: {  	_ = 	snop  }
0x69: {  	[tilespmem:s21], [sflag:$0x2] =	stream.indirect_vreg.gather [hbm4b:s8+s1], $0x80, v3, vm0, $0xb8;
	[tilespmem:$0xC200] =	vst v63  }
0x6a: {  	_ = 	snop  }
0x6b: {  	[tilespmem:s22], [sflag:$0x2] =	stream.indirect_vreg.gather [hbm4b:s9+s1], $0x80, v3, vm0, $0xb8;
	[tilespmem:$0xC200] =	vst v63  }
0x6c: {  	_ =	swait.ge [sflag:s23], $0x6000  }
0x6d: {  	[sflag:s23] =	ssyncset.done $0x0  }
0x6e: {  	s31 =	simm.s32 $0x0;
	[sflag:s23] =	ssyncadd.s32 $0xFFFFA000  }
0x6f: {  	s26 =	smul.u32 $0x1800, s31;
	_ =	swait.ge [sflag:s24], $0x6000  }
0x70: {  	s28 =	sand.u32 $0x380, s1;
	[sflag:s24] =	ssyncset.done $0x0  }
0x71: {  	s26 =	sor.u32 s28, s26;
	[sflag:s24] =	ssyncadd.s32 $0xFFFFA000  }
0x72: {  	v4 =	vld [tilespmem:s26+$0x210]  }
0x73: {  	v3 =	vld [tilespmem:s26+$0x6210]  }
0x74: {  	v6 =	vld [tilespmem:s26+$0x220]  }
0x75: {  	v5 =	vld [tilespmem:s26+$0x6220]  }
0x76: {  	v8 =	vld [tilespmem:s26+$0x230]  }
0x77: {  	v7 =	vld [tilespmem:s26+$0x6230]  }
0x78: {  	v10 =	vld [tilespmem:s26+$0x240]  }
0x79: {  	v9 =	vld [tilespmem:s26+$0x6240]  }
0x7a: {  	v12 =	vld [tilespmem:s26+$0x250]  }
0x7b: {  	v11 =	vld [tilespmem:s26+$0x6250]  }
0x7c: {  	v13 =	vld [tilespmem:s26+$0x260]  }
0x7d: {  	v14 =	vld [tilespmem:s26+$0x270]  }
0x7e: {  	v15 =	vld [tilespmem:s26+$0x600]  }
0x7f: {  	v16 =	vld [tilespmem:s26+$0x610]  }
0x80: {  	v17 =	vld [tilespmem:s26+$0x620]  }
0x81: {  	v18 =	vld [tilespmem:s26+$0x630]  }
0x82: {  	v19 =	vld [tilespmem:s26+$0x640]  }
0x83: {  	v20 =	vld [tilespmem:s26+$0x650]  }
0x84: {  	v21 =	vld [tilespmem:s26+$0x660]  }
0x85: {  	v22 =	vld [tilespmem:s26+$0x670]  }
0x86: {  	v23 =	vld [tilespmem:s26+$0xA00]  }
0x87: {  	v24 =	vld [tilespmem:s26+$0xA10]  }
0x88: {  	v25 =	vld [tilespmem:s26+$0xA20]  }
0x89: {  	v26 =	vld [tilespmem:s26+$0xA30]  }
0x8a: {  	v27 =	vld [tilespmem:s26+$0xA40]  }
0x8b: {  	v28 =	vld [tilespmem:s26+$0xA50]  }
0x8c: {  	v29 =	vld [tilespmem:s26+$0xA60]  }
0x8d: {  	v30 =	vld [tilespmem:s26+$0xA70]  }
0x8e: {  	v32 =	vld [tilespmem:s26+$0xE00]  }
0x8f: {  	v34 =	vld [tilespmem:s26+$0xE10]  }
0x90: {  	v35 =	vld [tilespmem:s26+$0xE20]  }
0x91: {  	v36 =	vld [tilespmem:s26+$0xE30]  }
0x92: {  	v37 =	vld [tilespmem:s26+$0xE40]  }
0x93: {  	v38 =	vld [tilespmem:s26+$0xE50]  }
0x94: {  	v39 =	vld [tilespmem:s26+$0xE60]  }
0x95: {  	v40 =	vld [tilespmem:s26+$0xE70]  }
0x96: {  	v41 =	vld [tilespmem:s26+$0x1200]  }
0x97: {  	v42 =	vld [tilespmem:s26+$0x1210]  }
0x98: {  	v43 =	vld [tilespmem:s26+$0x1220]  }
0x99: {  	v44 =	vld [tilespmem:s26+$0x1230]  }
0x9a: {  	v45 =	vld [tilespmem:s26+$0x1240]  }
0x9b: {  	v46 =	vld [tilespmem:s26+$0x1250]  }
0x9c: {  	v47 =	vld [tilespmem:s26+$0x1260]  }
0x9d: {  	v50 =	vmov s1;
	v48 =	vld [tilespmem:s26+$0x1600]  }
0x9e: {  	s29 =	simm.s32 $0x0;
	s28 =	simm.s32 $0x1;
	v49 =	vld [tilespmem:s26+$0x1610]  }
.LBB2_2:
0x9f: {  	p0 =	sne.s32 s28, $0x1F;
	v51 =	vld [tilespmem:s26+$0x7610]  }
0xa0: {  	v52 =	vld [tilespmem:s26+$0x7630]  }
0xa1: {  	v53 =	vld [tilespmem:s26+$0x1620]  }
0xa2: {  	v33 =	vld.idx.msk [tilespmem:v50+s14+$0x0], $0xffff  }
0xa3: {  	v31 =	vld.idx.msk [tilespmem:v50+s15+$0x0], $0xffff  }
0xa4: {  	v50 =	vld [tilespmem:s26+$0x1630]  }
0xa5: {  	v54 =	vld [tilespmem:s26+$0x7620]  }
0xa6: {  	v55 =	vld [tilespmem:s26+$0x7600]  }
0xa7: {  	v56 =	vld [tilespmem:s26+$0x1270]  }
0xa8: {  	v49 =	vmul.f32 v49, v33;
	v53 =	vmul.f32 v53, v33;
	v57 =	vld [tilespmem:s26+$0x7270]  }
0xa9: {  	v52 =	vmul.f32 v52, v31;
	v58 =	vld [tilespmem:s26+$0x7260];
	v50 =	vmul.f32 v50, v33  }
0xaa: {  	v51 =	vmul.f32 v51, v31;
	v59 =	vld [tilespmem:s26+$0x7250];
	v54 =	vmul.f32 v54, v31  }
0xab: {  	v48 =	vmul.f32 v48, v33;
	v60 =	vld [tilespmem:s26+$0x7240];
	v55 =	vmul.f32 v55, v31;
	v50 =	vadd.f32 v52, v50  }
0xac: {  	v49 =	vadd.f32 v51, v49;
	v52 =	vld [tilespmem:s26+$0x7230];
	v56 =	vmul.f32 v56, v33;
	v51 =	vadd.f32 v54, v53  }
0xad: {  	v47 =	vmul.f32 v47, v33;
	v53 =	vld [tilespmem:s26+$0x7220];
	v54 =	vmul.f32 v57, v31;
	v48 =	vadd.f32 v55, v48;
	[tilespmem:s26+$0x1630] =	vst v50  }
0xae: {  	v46 =	vmul.f32 v46, v33;
	v50 =	vld [tilespmem:s26+$0x7210];
	v55 =	vmul.f32 v58, v31;
	[tilespmem:s26+$0x1620] =	vst v51  }
0xaf: {  	v45 =	vmul.f32 v45, v33;
	v51 =	vld [tilespmem:s26+$0x7200];
	v57 =	vmul.f32 v59, v31;
	v54 =	vadd.f32 v54, v56;
	[tilespmem:s26+$0x1610] =	vst v49  }
0xb0: {  	v44 =	vmul.f32 v44, v33;
	v49 =	vld [tilespmem:s26+$0x6E70];
	v56 =	vmul.f32 v60, v31;
	v47 =	vadd.f32 v55, v47;
	[tilespmem:s26+$0x1600] =	vst v48  }
0xb1: {  	v43 =	vmul.f32 v43, v33;
	v48 =	vld [tilespmem:s26+$0x6E60];
	v52 =	vmul.f32 v52, v31;
	v46 =	vadd.f32 v57, v46;
	[tilespmem:s26+$0x1270] =	vst v54  }
0xb2: {  	v42 =	vmul.f32 v42, v33;
	v54 =	vld [tilespmem:s26+$0x6E50];
	v53 =	vmul.f32 v53, v31;
	v45 =	vadd.f32 v56, v45;
	[tilespmem:s26+$0x1260] =	vst v47  }
0xb3: {  	v41 =	vmul.f32 v41, v33;
	v47 =	vld [tilespmem:s26+$0x6E40];
	v50 =	vmul.f32 v50, v31;
	v44 =	vadd.f32 v52, v44;
	[tilespmem:s26+$0x1250] =	vst v46  }
0xb4: {  	v40 =	vmul.f32 v40, v33;
	v46 =	vld [tilespmem:s26+$0x6E30];
	v51 =	vmul.f32 v51, v31;
	v43 =	vadd.f32 v53, v43;
	[tilespmem:s26+$0x1240] =	vst v45  }
0xb5: {  	v39 =	vmul.f32 v39, v33;
	v45 =	vld [tilespmem:s26+$0x6E20];
	v49 =	vmul.f32 v49, v31;
	v42 =	vadd.f32 v50, v42;
	[tilespmem:s26+$0x1230] =	vst v44  }
0xb6: {  	v38 =	vmul.f32 v38, v33;
	v44 =	vld [tilespmem:s26+$0x6E10];
	v48 =	vmul.f32 v48, v31;
	v41 =	vadd.f32 v51, v41;
	[tilespmem:s26+$0x1220] =	vst v43  }
0xb7: {  	v37 =	vmul.f32 v37, v33;
	v43 =	vld [tilespmem:s26+$0x6E00];
	v50 =	vmul.f32 v54, v31;
	v40 =	vadd.f32 v49, v40;
	[tilespmem:s26+$0x1210] =	vst v42  }
0xb8: {  	v36 =	vmul.f32 v36, v33;
	v42 =	vld [tilespmem:s26+$0x6A70];
	v47 =	vmul.f32 v47, v31;
	v39 =	vadd.f32 v48, v39;
	[tilespmem:s26+$0x1200] =	vst v41  }
0xb9: {  	v35 =	vmul.f32 v35, v33;
	v41 =	vld [tilespmem:s26+$0x6A60];
	v46 =	vmul.f32 v46, v31;
	v38 =	vadd.f32 v50, v38;
	[tilespmem:s26+$0xE70] =	vst v40  }
0xba: {  	v34 =	vmul.f32 v34, v33;
	v40 =	vld [tilespmem:s26+$0x6A50];
	v45 =	vmul.f32 v45, v31;
	v37 =	vadd.f32 v47, v37;
	[tilespmem:s26+$0xE60] =	vst v39  }
0xbb: {  	v32 =	vmul.f32 v32, v33;
	v39 =	vld [tilespmem:s26+$0x6A40];
	v44 =	vmul.f32 v44, v31;
	v36 =	vadd.f32 v46, v36;
	[tilespmem:s26+$0xE50] =	vst v38  }
0xbc: {  	v30 =	vmul.f32 v30, v33;
	v38 =	vld [tilespmem:s26+$0x6A30];
	v43 =	vmul.f32 v43, v31;
	v35 =	vadd.f32 v45, v35;
	[tilespmem:s26+$0xE40] =	vst v37  }
0xbd: {  	v29 =	vmul.f32 v29, v33;
	v37 =	vld [tilespmem:s26+$0x6A20];
	v42 =	vmul.f32 v42, v31;
	v34 =	vadd.f32 v44, v34;
	[tilespmem:s26+$0xE30] =	vst v36  }
0xbe: {  	v28 =	vmul.f32 v28, v33;
	v36 =	vld [tilespmem:s26+$0x6A10];
	v41 =	vmul.f32 v41, v31;
	v32 =	vadd.f32 v43, v32;
	[tilespmem:s26+$0xE20] =	vst v35  }
0xbf: {  	v27 =	vmul.f32 v27, v33;
	v35 =	vld [tilespmem:s26+$0x6A00];
	v40 =	vmul.f32 v40, v31;
	v30 =	vadd.f32 v42, v30;
	[tilespmem:s26+$0xE10] =	vst v34  }
0xc0: {  	v26 =	vmul.f32 v26, v33;
	v34 =	vld [tilespmem:s26+$0x6670];
	v39 =	vmul.f32 v39, v31;
	v29 =	vadd.f32 v41, v29;
	[tilespmem:s26+$0xE00] =	vst v32  }
0xc1: {  	v25 =	vmul.f32 v25, v33;
	v32 =	vld [tilespmem:s26+$0x6660];
	v38 =	vmul.f32 v38, v31;
	v28 =	vadd.f32 v40, v28;
	[tilespmem:s26+$0xA70] =	vst v30  }
0xc2: {  	v24 =	vmul.f32 v24, v33;
	v30 =	vld [tilespmem:s26+$0x6650];
	v37 =	vmul.f32 v37, v31;
	v27 =	vadd.f32 v39, v27;
	[tilespmem:s26+$0xA60] =	vst v29  }
0xc3: {  	v23 =	vmul.f32 v23, v33;
	v29 =	vld [tilespmem:s26+$0x6640];
	v36 =	vmul.f32 v36, v31;
	v26 =	vadd.f32 v38, v26;
	[tilespmem:s26+$0xA50] =	vst v28  }
0xc4: {  	v22 =	vmul.f32 v22, v33;
	v28 =	vld [tilespmem:s26+$0x6630];
	v35 =	vmul.f32 v35, v31;
	v25 =	vadd.f32 v37, v25;
	[tilespmem:s26+$0xA40] =	vst v27  }
0xc5: {  	v21 =	vmul.f32 v21, v33;
	v27 =	vld [tilespmem:s26+$0x6620];
	v34 =	vmul.f32 v34, v31;
	v24 =	vadd.f32 v36, v24;
	[tilespmem:s26+$0xA30] =	vst v26  }
0xc6: {  	v20 =	vmul.f32 v20, v33;
	v26 =	vld [tilespmem:s26+$0x6610];
	v32 =	vmul.f32 v32, v31;
	v23 =	vadd.f32 v35, v23;
	[tilespmem:s26+$0xA20] =	vst v25  }
0xc7: {  	v19 =	vmul.f32 v19, v33;
	v25 =	vld [tilespmem:s26+$0x6600];
	v30 =	vmul.f32 v30, v31;
	v22 =	vadd.f32 v34, v22;
	[tilespmem:s26+$0xA10] =	vst v24  }
0xc8: {  	v18 =	vmul.f32 v18, v33;
	v24 =	vld [tilespmem:s26+$0x6270];
	v29 =	vmul.f32 v29, v31;
	v21 =	vadd.f32 v32, v21;
	[tilespmem:s26+$0xA00] =	vst v23  }
0xc9: {  	v17 =	vmul.f32 v17, v33;
	v23 =	vld [tilespmem:s26+$0x6260];
	v28 =	vmul.f32 v28, v31;
	v20 =	vadd.f32 v30, v20;
	[tilespmem:s26+$0x670] =	vst v22  }
0xca: {  	v16 =	vmul.f32 v16, v33;
	v22 =	vmul.f32 v27, v31;
	v19 =	vadd.f32 v29, v19;
	[tilespmem:s26+$0x660] =	vst v21;
	v21 =	vld [tilespmem:s26+$0x7640]  }
0xcb: {  	v15 =	vmul.f32 v15, v33;
	v26 =	vmul.f32 v26, v31;
	v18 =	vadd.f32 v28, v18;
	[tilespmem:s26+$0x650] =	vst v20;
	v20 =	vld [tilespmem:s26+$0x7650]  }
0xcc: {  	v14 =	vmul.f32 v14, v33;
	v25 =	vmul.f32 v25, v31;
	v17 =	vadd.f32 v22, v17;
	[tilespmem:s26+$0x640] =	vst v19;
	v19 =	vld [tilespmem:s26+$0x7660]  }
0xcd: {  	v13 =	vmul.f32 v13, v33;
	v22 =	vmul.f32 v24, v31;
	v16 =	vadd.f32 v26, v16;
	[tilespmem:s26+$0x630] =	vst v18;
	v18 =	vld [tilespmem:s26+$0x7670]  }
0xce: {  	v12 =	vmul.f32 v12, v33;
	v23 =	vmul.f32 v23, v31;
	v15 =	vadd.f32 v25, v15;
	[tilespmem:s26+$0x620] =	vst v17;
	v17 =	vld [tilespmem:s26+$0x1640]  }
0xcf: {  	v10 =	vmul.f32 v10, v33;
	v11 =	vmul.f32 v11, v31;
	v14 =	vadd.f32 v22, v14;
	[tilespmem:s26+$0x610] =	vst v16;
	v16 =	vld [tilespmem:s26+$0x1650]  }
0xd0: {  	v8 =	vmul.f32 v8, v33;
	v9 =	vmul.f32 v9, v31;
	v13 =	vadd.f32 v23, v13;
	[tilespmem:s26+$0x600] =	vst v15;
	v15 =	vld [tilespmem:s26+$0x1660]  }
0xd1: {  	v6 =	vmul.f32 v6, v33;
	v7 =	vmul.f32 v7, v31;
	v11 =	vadd.f32 v11, v12;
	[tilespmem:s26+$0x270] =	vst v14;
	v12 =	vld [tilespmem:s26+$0x1670]  }
0xd2: {  	v4 =	vmul.f32 v4, v33;
	v5 =	vmul.f32 v5, v31;
	v9 =	vadd.f32 v9, v10;
	v14 =	vld [tilespmem:s26+$0x200];
	[tilespmem:s26+$0x260] =	vst v13  }
0xd3: {  	v3 =	vmul.f32 v3, v31;
	v7 =	vadd.f32 v7, v8;
	v10 =	vld [tilespmem:s26+$0x6200];
	[tilespmem:s26+$0x250] =	vst v11;
	v8 =	vmul.f32 v17, v33  }
0xd4: {  	s30 =	sshrl.u32 s28, $0x3;
	v5 =	vadd.f32 v5, v6;
	v6 =	vmul.f32 v21, v31;
	[tilespmem:s26+$0x240] =	vst v9;
	v9 =	vmul.f32 v16, v33  }
0xd5: {  	s29 =	sadd.s32 $0x80, s29;
	s30 =	smul.u32 $0x1800, s30;
	v3 =	vadd.f32 v3, v4;
	v4 =	vmul.f32 v20, v31;
	[tilespmem:s26+$0x230] =	vst v7;
	v7 =	vmul.f32 v15, v33  }
0xd6: {  	s31 =	sand.u32 $0x380, s29;
	[tilespmem:s26+$0x220] =	vst v5;
	v5 =	vadd.f32 v6, v8;
	v6 =	vmul.f32 v19, v31;
	v8 =	vmul.f32 v12, v33  }
0xd7: {  	s30 =	sor.u32 s31, s30;
	v9 =	vadd.f32 v4, v9;
	v12 =	vmul.f32 v18, v31;
	v11 =	vmul.f32 v14, v33;
	[tilespmem:s26+$0x210] =	vst v3  }
0xd8: {  	v4 =	vld [tilespmem:s30+$0x210];
	v10 =	vmul.f32 v10, v31;
	[tilespmem:s26+$0x1640] =	vst v5;
	v5 =	vadd.f32 v6, v7  }
0xd9: {  	v7 =	vadd.f32 v12, v8;
	v3 =	vld [tilespmem:s30+$0x6210];
	[tilespmem:s26+$0x1650] =	vst v9  }
0xda: {  	v6 =	vld [tilespmem:s30+$0x220];
	v9 =	vadd.f32 v10, v11;
	[tilespmem:s26+$0x1660] =	vst v5  }
0xdb: {  	v5 =	vld [tilespmem:s30+$0x6220];
	[tilespmem:s26+$0x1670] =	vst v7  }
0xdc: {  	v8 =	vld [tilespmem:s30+$0x230];
	[tilespmem:s26+$0x200] =	vst v9;
	s26 =	smov.u32 s30  }
0xdd: {  	v7 =	vld [tilespmem:s26+$0x6230]  }
0xde: {  	v10 =	vld [tilespmem:s26+$0x240]  }
0xdf: {  	v9 =	vld [tilespmem:s26+$0x6240]  }
0xe0: {  	v12 =	vld [tilespmem:s26+$0x250]  }
0xe1: {  	v11 =	vld [tilespmem:s26+$0x6250]  }
0xe2: {  	v13 =	vld [tilespmem:s26+$0x260]  }
0xe3: {  	v14 =	vld [tilespmem:s26+$0x270]  }
0xe4: {  	v15 =	vld [tilespmem:s26+$0x600]  }
0xe5: {  	v16 =	vld [tilespmem:s26+$0x610]  }
0xe6: {  	v17 =	vld [tilespmem:s26+$0x620]  }
0xe7: {  	v18 =	vld [tilespmem:s26+$0x630]  }
0xe8: {  	v19 =	vld [tilespmem:s26+$0x640]  }
0xe9: {  	v20 =	vld [tilespmem:s26+$0x650]  }
0xea: {  	v21 =	vld [tilespmem:s26+$0x660]  }
0xeb: {  	v22 =	vld [tilespmem:s26+$0x670]  }
0xec: {  	v23 =	vld [tilespmem:s26+$0xA00]  }
0xed: {  	v24 =	vld [tilespmem:s26+$0xA10]  }
0xee: {  	v25 =	vld [tilespmem:s26+$0xA20]  }
0xef: {  	v26 =	vld [tilespmem:s26+$0xA30]  }
0xf0: {  	v27 =	vld [tilespmem:s26+$0xA40]  }
0xf1: {  	v28 =	vld [tilespmem:s26+$0xA50]  }
0xf2: {  	v29 =	vld [tilespmem:s26+$0xA60]  }
0xf3: {  	v30 =	vld [tilespmem:s26+$0xA70]  }
0xf4: {  	v32 =	vld [tilespmem:s26+$0xE00]  }
0xf5: {  	v34 =	vld [tilespmem:s26+$0xE10]  }
0xf6: {  	v35 =	vld [tilespmem:s26+$0xE20]  }
0xf7: {  	v36 =	vld [tilespmem:s26+$0xE30]  }
0xf8: {  	v37 =	vld [tilespmem:s26+$0xE40]  }
0xf9: {  	v38 =	vld [tilespmem:s26+$0xE50]  }
0xfa: {  	v39 =	vld [tilespmem:s26+$0xE60]  }
0xfb: {  	v40 =	vld [tilespmem:s26+$0xE70]  }
0xfc: {  	v41 =	vld [tilespmem:s26+$0x1200]  }
0xfd: {  	v42 =	vld [tilespmem:s26+$0x1210]  }
0xfe: {  	v43 =	vld [tilespmem:s26+$0x1220]  }
0xff: {  	v44 =	vld [tilespmem:s26+$0x1230]  }
.Ltmp0:
0x100: {  	v45 =	vld [tilespmem:s26+$0x1240];
	(pc) =	sbr.rel @p0 .LBB2_2-.Ltmp0, $4  }
0x101: {  	v46 =	vld [tilespmem:s26+$0x1250]  }
0x102: {  	v47 =	vld [tilespmem:s26+$0x1260]  }
0x103: {  	v50 =	vmov s28;
	v48 =	vld [tilespmem:s26+$0x1600]  }
0x104: {  	s28 =	sadd.s32 $0x1, s28;
	v49 =	vld [tilespmem:s26+$0x1610]  }
0x105: {  	_ =	sdelay $0x1  }
0x106: {  	v52 =	vld [tilespmem:s26+$0x7630]  }
0x107: {  	v53 =	vld [tilespmem:s26+$0x1620]  }
0x108: {  	v31 =	vld.idx.msk [tilespmem:v50+s14+$0x0], $0xffff  }
0x109: {  	v33 =	vld.idx.msk [tilespmem:v50+s15+$0x0], $0xffff  }
0x10a: {  	v61 =	vld [tilespmem:s26+$0x1630]  }
0x10b: {  	v54 =	vld [tilespmem:s26+$0x7620]  }
0x10c: {  	v51 =	vld [tilespmem:s26+$0x7610]  }
0x10d: {  	v55 =	vld [tilespmem:s26+$0x7600]  }
0x10e: {  	v56 =	vld [tilespmem:s26+$0x1270]  }
0x10f: {  	v58 =	vld [tilespmem:s26+$0x7260];
	v50 =	vmul.f32 v61, v31;
	v52 =	vmul.f32 v52, v33  }
0x110: {  	v57 =	vld [tilespmem:s26+$0x7270];
	v53 =	vmul.f32 v53, v31;
	v54 =	vmul.f32 v54, v33  }
0x111: {  	v59 =	vld [tilespmem:s26+$0x7250];
	v49 =	vmul.f32 v49, v31;
	v51 =	vmul.f32 v51, v33  }
0x112: {  	v60 =	vld [tilespmem:s26+$0x7240];
	v48 =	vmul.f32 v48, v31;
	v62 =	vmul.f32 v55, v33;
	v50 =	vadd.f32 v52, v50  }
0x113: {  	v61 =	vld [tilespmem:s26+$0x7220];
	v63 =	vmul.f32 v56, v31;
	v47 =	vmul.f32 v47, v31;
	v53 =	vadd.f32 v54, v53  }
0x114: {  	v58 =	vmul.f32 v58, v33;
	v55 =	vld [tilespmem:s26+$0x6660];
	v12 =	vmul.f32 v12, v31;
	v49 =	vadd.f32 v51, v49;
	[tilespmem:s26+$0x1630] =	vst v50  }
0x115: {  	v56 =	vld [tilespmem:s26+$0x6650];
	v11 =	vmul.f32 v11, v33;
	v10 =	vmul.f32 v10, v31;
	v48 =	vadd.f32 v62, v48;
	[tilespmem:s26+$0x1620] =	vst v53  }
0x116: {  	v9 =	vmul.f32 v9, v33;
	v8 =	vmul.f32 v8, v31;
	v52 =	vld [tilespmem:s26+$0x7230];
	v47 =	vadd.f32 v58, v47;
	[tilespmem:s26+$0x1610] =	vst v49  }
0x117: {  	v7 =	vmul.f32 v7, v33;
	v6 =	vmul.f32 v6, v31;
	v51 =	vld [tilespmem:s26+$0x7200];
	v11 =	vadd.f32 v11, v12;
	[tilespmem:s26+$0x1600] =	vst v48  }
0x118: {  	v5 =	vmul.f32 v5, v33;
	v4 =	vmul.f32 v4, v31;
	v58 =	vld [tilespmem:s26+$0x6E20];
	v9 =	vadd.f32 v9, v10;
	[tilespmem:s26+$0x1260] =	vst v47  }
0x119: {  	v3 =	vmul.f32 v3, v33;
	v62 =	vmul.f32 v59, v33;
	v59 =	vld [tilespmem:s26+$0x6E10];
	v7 =	vadd.f32 v7, v8;
	[tilespmem:s26+$0x250] =	vst v11  }
0x11a: {  	v57 =	vmul.f32 v57, v33;
	v54 =	vld [tilespmem:s26+$0x6670];
	v5 =	vadd.f32 v5, v6;
	[tilespmem:s26+$0x240] =	vst v9  }
0x11b: {  	v46 =	vmul.f32 v46, v31;
	v3 =	vadd.f32 v3, v4;
	v50 =	vld [tilespmem:s26+$0x7210];
	[tilespmem:s26+$0x230] =	vst v7  }
0x11c: {  	v45 =	vmul.f32 v45, v31;
	v49 =	vld [tilespmem:s26+$0x6E70];
	v53 =	vadd.f32 v57, v63;
	v63 =	vmul.f32 v60, v33;
	[tilespmem:s26+$0x220] =	vst v5  }
0x11d: {  	v43 =	vmul.f32 v43, v31;
	v48 =	vld [tilespmem:s26+$0x6E60];
	v46 =	vadd.f32 v62, v46;
	[tilespmem:s26+$0x210] =	vst v3;
	v57 =	vmul.f32 v61, v33  }
0x11e: {  	v44 =	vmul.f32 v44, v31;
	v47 =	vld [tilespmem:s26+$0x6E40];
	[tilespmem:s26+$0x1270] =	vst v53;
	v45 =	vadd.f32 v63, v45;
	v52 =	vmul.f32 v52, v33  }
0x11f: {  	v41 =	vmul.f32 v41, v31;
	v60 =	vld [tilespmem:s26+$0x6E00];
	[tilespmem:s26+$0x1250] =	vst v46;
	v43 =	vadd.f32 v57, v43;
	v51 =	vmul.f32 v51, v33  }
0x120: {  	v35 =	vmul.f32 v35, v31;
	v62 =	vld [tilespmem:s26+$0x6A60];
	[tilespmem:s26+$0x1240] =	vst v45;
	v45 =	vmul.f32 v58, v33;
	v44 =	vadd.f32 v52, v44  }
0x121: {  	v42 =	vmul.f32 v42, v31;
	v53 =	vld [tilespmem:s26+$0x6E50];
	v50 =	vmul.f32 v50, v33;
	[tilespmem:s26+$0x1220] =	vst v43;
	v41 =	vadd.f32 v51, v41  }
0x122: {  	v40 =	vmul.f32 v40, v31;
	v46 =	vld [tilespmem:s26+$0x6E30];
	v49 =	vmul.f32 v49, v33;
	v35 =	vadd.f32 v45, v35;
	[tilespmem:s26+$0x1230] =	vst v44  }
0x123: {  	v39 =	vmul.f32 v39, v31;
	v61 =	vld [tilespmem:s26+$0x6A70];
	v48 =	vmul.f32 v48, v33;
	v42 =	vadd.f32 v50, v42;
	[tilespmem:s26+$0x1200] =	vst v41  }
0x124: {  	v37 =	vmul.f32 v37, v31;
	v57 =	vld [tilespmem:s26+$0x6640];
	v47 =	vmul.f32 v47, v33;
	v40 =	vadd.f32 v49, v40;
	[tilespmem:s26+$0xE20] =	vst v35  }
0x125: {  	v32 =	vmul.f32 v32, v31;
	v58 =	vld [tilespmem:s26+$0x6630];
	v43 =	vmul.f32 v60, v33;
	v39 =	vadd.f32 v48, v39;
	[tilespmem:s26+$0x1210] =	vst v42  }
0x126: {  	v38 =	vmul.f32 v38, v31;
	v51 =	vld [tilespmem:s26+$0x6A20];
	v63 =	vmul.f32 v53, v33;
	v37 =	vadd.f32 v47, v37;
	[tilespmem:s26+$0xE70] =	vst v40  }
0x127: {  	v36 =	vmul.f32 v36, v31;
	v52 =	vld [tilespmem:s26+$0x6A10];
	v46 =	vmul.f32 v46, v33;
	v32 =	vadd.f32 v43, v32;
	[tilespmem:s26+$0xE60] =	vst v39  }
0x128: {  	v34 =	vmul.f32 v34, v31;
	v60 =	vld [tilespmem:s26+$0x6610];
	v44 =	vmul.f32 v59, v33;
	v38 =	vadd.f32 v63, v38;
	[tilespmem:s26+$0xE40] =	vst v37  }
0x129: {  	v29 =	vmul.f32 v29, v31;
	v45 =	vld [tilespmem:s26+$0x1640];
	v41 =	vmul.f32 v62, v33;
	v36 =	vadd.f32 v46, v36;
	[tilespmem:s26+$0xE00] =	vst v32  }
0x12a: {  	v21 =	vmul.f32 v21, v31;
	v48 =	vld [tilespmem:s26+$0x6A50];
	v62 =	vmul.f32 v55, v33;
	v34 =	vadd.f32 v44, v34;
	[tilespmem:s26+$0xE50] =	vst v38  }
0x12b: {  	v30 =	vmul.f32 v30, v31;
	v49 =	vld [tilespmem:s26+$0x6A40];
	v42 =	vmul.f32 v61, v33;
	v29 =	vadd.f32 v41, v29;
	[tilespmem:s26+$0xE30] =	vst v36  }
0x12c: {  	v25 =	vmul.f32 v25, v31;
	v50 =	vld [tilespmem:s26+$0x6A30];
	v21 =	vadd.f32 v62, v21;
	v37 =	vmul.f32 v51, v33;
	[tilespmem:s26+$0xE10] =	vst v34  }
0x12d: {  	v16 =	vmul.f32 v16, v31;
	v53 =	vld [tilespmem:s26+$0x6A00];
	v41 =	vmul.f32 v60, v33;
	v30 =	vadd.f32 v42, v30;
	[tilespmem:s26+$0xA60] =	vst v29  }
0x12e: {  	v24 =	vmul.f32 v24, v31;
	v59 =	vld [tilespmem:s26+$0x6620];
	v36 =	vmul.f32 v52, v33;
	[tilespmem:s26+$0x660] =	vst v21;
	v25 =	vadd.f32 v37, v25  }
0x12f: {  	v22 =	vmul.f32 v22, v31;
	v43 =	vld [tilespmem:s26+$0x7670];
	v34 =	vmul.f32 v54, v33;
	v16 =	vadd.f32 v41, v16;
	[tilespmem:s26+$0xA70] =	vst v30  }
0x130: {  	v28 =	vmul.f32 v28, v31;
	v61 =	vld [tilespmem:s26+$0x6600];
	v40 =	vmul.f32 v48, v33;
	v24 =	vadd.f32 v36, v24;
	[tilespmem:s26+$0xA20] =	vst v25  }
0x131: {  	v27 =	vmul.f32 v27, v31;
	v63 =	vld [tilespmem:s26+$0x6270];
	v39 =	vmul.f32 v49, v33;
	v22 =	vadd.f32 v34, v22;
	[tilespmem:s26+$0x610] =	vst v16  }
0x132: {  	v26 =	vmul.f32 v26, v31;
	v46 =	vld [tilespmem:s26+$0x1650];
	v38 =	vmul.f32 v50, v33;
	v28 =	vadd.f32 v40, v28;
	[tilespmem:s26+$0xA10] =	vst v24  }
0x133: {  	v23 =	vmul.f32 v23, v31;
	v51 =	vld [tilespmem:s26+$0x200];
	v35 =	vmul.f32 v53, v33;
	v27 =	vadd.f32 v39, v27;
	[tilespmem:s26+$0x670] =	vst v22  }
0x134: {  	v18 =	vmul.f32 v18, v31;
	v37 =	vmul.f32 v58, v33;
	v48 =	vld [tilespmem:s26+$0x1660];
	v26 =	vadd.f32 v38, v26;
	[tilespmem:s26+$0xA50] =	vst v28  }
0x135: {  	v20 =	vmul.f32 v20, v31;
	v50 =	vld [tilespmem:s26+$0x6200];
	v30 =	vmul.f32 v56, v33;
	v23 =	vadd.f32 v35, v23;
	[tilespmem:s26+$0xA40] =	vst v27  }
0x136: {  	v19 =	vmul.f32 v19, v31;
	v34 =	vld [tilespmem:s26+$0x6260];
	v35 =	vmul.f32 v57, v33;
	v18 =	vadd.f32 v37, v18;
	[tilespmem:s26+$0xA30] =	vst v26  }
0x137: {  	v17 =	vmul.f32 v17, v31;
	v36 =	vld [tilespmem:s26+$0x7640];
	v39 =	vmul.f32 v59, v33;
	v20 =	vadd.f32 v30, v20;
	[tilespmem:s26+$0xA00] =	vst v23  }
0x138: {  	v15 =	vmul.f32 v15, v31;
	v38 =	vld [tilespmem:s26+$0x7650];
	v42 =	vmul.f32 v61, v33;
	v19 =	vadd.f32 v35, v19;
	[tilespmem:s26+$0x630] =	vst v18  }
0x139: {  	v14 =	vmul.f32 v14, v31;
	v40 =	vld [tilespmem:s26+$0x7660];
	v44 =	vmul.f32 v63, v33;
	v17 =	vadd.f32 v39, v17;
	[tilespmem:s26+$0x650] =	vst v20  }
0x13a: {  	v49 =	vld [tilespmem:s26+$0x1670];
	v61 =	vmul.f32 v51, v31;
	v15 =	vadd.f32 v42, v15;
	v10 =	vmul.f32 v50, v33;
	[tilespmem:s26+$0x640] =	vst v19  }
0x13b: {  	v13 =	vmul.f32 v13, v31;
	v14 =	vadd.f32 v44, v14;
	[tilespmem:s26+$0x620] =	vst v17;
	v47 =	vmul.f32 v34, v33  }
0x13c: {  	v52 =	vmul.f32 v45, v31;
	[tilespmem:s26+$0x600] =	vst v15;
	v53 =	vmul.f32 v36, v33;
	v63 =	vadd.f32 v10, v61  }
0x13d: {  	v54 =	vmul.f32 v46, v31;
	[tilespmem:s26+$0x270] =	vst v14;
	v55 =	vmul.f32 v38, v33;
	v13 =	vadd.f32 v47, v13  }
0x13e: {  	v56 =	vmul.f32 v48, v31;
	v58 =	vmul.f32 v40, v33;
	v57 =	vadd.f32 v53, v52;
	[tilespmem:s26+$0x200] =	vst v63  }
0x13f: {  	v60 =	vmul.f32 v43, v33;
	v59 =	vmul.f32 v49, v31;
	v3 =	vadd.f32 v55, v54;
	[tilespmem:s26+$0x260] =	vst v13  }
0x140: {  	v62 =	vadd.f32 v58, v56;
	[tilespmem:s26+$0x1640] =	vst v57  }
0x141: {  	s25 =	sadd.s32 $0x1, s25;
	[tilespmem:s26+$0x1650] =	vst v3;
	v3 =	vadd.f32 v60, v59  }
0x142: {  	p0 =	sne.s32 s25, s11;
	[tilespmem:s26+$0x1660] =	vst v62  }
.Ltmp1:
0x143: {  	[tilespmem:s26+$0x1670] =	vst v3;
	(pc) =	sbr.rel @p0 .LBB2_1-.Ltmp1, $4  }
0x144: {  	[hbm4b:s10+s1] =	stream.linear.scatter [tilespmem:s16], [sflag:$0x3], $0x6000, $0x38;
	[tilespmem:$0xC200] =	vst v63  }
0x145: {  	_ =	swait.ge [sflag:s12], $0x6000  }
0x146: {  	[sflag:s12] =	ssyncset.done $0x0  }
0x147: {  	[sflag:s12] =	ssyncadd.s32 $0xFFFFA000  }
0x148: {  	_ =	sfence.sel $0x180000  }
0x149: {  	[bflag:$0x0] =	sbarrier.arrive $0xFFFF  }
0x14a: {  	_ =	strace $0x9000004A  }
0x14b: {  	s0 =	stileid.u32;
	[bflag:$0x2] =	sbarrier.arrive $0xFFFF  }
0x14c: {  	p0 =	sne.s32 s0, $0x0;
	s0 =	rddreg [dreg:$0x2]  }
0x14d: {  	s0 =	sadd.s32 @!p0 $0x100000, s0  }
0x14e: {  	[sflag:s0] =	ssyncadd.tile.s32 @!p0 $0x1;
	_ =	shalt  }
.Lfunc_end2:
_tile_overlayer_lowered:
.L_overlay_start_2:
0x14f: {  	(tag) =	ssettag $0x2  }
0x150: {  	s0 =	rddreg [dreg:$0x0];
	s2 =	stileid.u32  }
0x151: {  	s1 =	rddreg [dreg:$0x1];
	p0 =	sne.s32 s2, $0x0  }
0x152: {  	s3 =	rddreg [dreg:$0x2];
	[bflag:$0x3] =	sbarrier.arrive $0xFFFF;
	s2 =	simm.s32 @!p0 $0x1C03  }
0x153: {  	[timem:s3], [sflag:s2] =	dma.local @!p0 [hbm:s0], s1  }
0x154: {  	s0 =	simm.s32 @!p0 $0x3  }
0x155: {  	_ =	swait.ge @!p0 [sflag:s0], s1  }
0x156: {  	s1 =	ssub.s32 @!p0 $0x0, s1;
	[sflag:s0] =	ssyncset.done @!p0 $0x0  }
0x157: {  	[sflag:s0] =	ssyncadd.s32 @!p0 s1  }
0x158: {  	[bflag:$0x3] =	sbarrier.arrive $0xFFFF  }
0x159: {  	_ =	shalt  }

</sc_bundles>
